<compile_context>
chip_gen: v7x
topology: tpu7x:2x2x1
jax: 0.10.2.dev20260603
libtpu: 0.0.44.dev20260713+nightly
codegen_flags: <defaults>
</compile_context>

<pallas_src>
import functools

import jax
import jax.numpy as jnp
from jax import lax
from jax.experimental import pallas as pl
from jax.experimental.pallas import tpu as pltpu
from jax.experimental.pallas import tpu_sc as plsc

N = 8388608
TW = 2 ** 19
NC, NS, L = 2, 16, 16
NW = NC * NS
KPT = N // NW
CHUNK = 16384
NCHUNK = KPT // CHUNK
GROUPS = CHUNK // 64
TAB_SLICE = TW // NS

_mesh = plsc.VectorSubcoreMesh(
    core_axis_name="c", subcore_axis_name="s", num_cores=NC, num_subcores=NS)


@functools.partial(
    pl.kernel,
    out_type=jax.ShapeDtypeStruct((N // 4 // 128, 128), jnp.int32),
    mesh=_mesh,
    scratch_types=[
        pltpu.VMEM_SHARED((TW,), jnp.int32),
        pltpu.VMEM((CHUNK,), jnp.int32),
        pltpu.VMEM((CHUNK,), jnp.int32),
        pltpu.VMEM((CHUNK,), jnp.int32),
        pltpu.VMEM((CHUNK,), jnp.int32),
        pltpu.VMEM((CHUNK // 4 // 128, 128), jnp.int32),
    ],
    compiler_params=pltpu.CompilerParams(
        needs_layout_passes=False, use_tc_tiling_on_sc=True),
)
def _lcg_sc(x_hbm, tab_hbm, out8_hbm, tab_sh, xbuf, wqbuf, bpbuf, twbuf, obuf):
    cid = lax.axis_index("c")
    sid = lax.axis_index("s")
    wid = sid * NC + cid


    for st in range(TAB_SLICE // CHUNK):
        woff = pl.multiple_of(sid * jnp.int32(TAB_SLICE) + jnp.int32(st * CHUNK), 8)
        pltpu.sync_copy(tab_hbm.at[pl.ds(woff, CHUNK)], xbuf)
        pltpu.sync_copy(xbuf, tab_sh.at[pl.ds(woff, CHUNK)])
    plsc.subcore_barrier()

    lanes4 = lax.iota(jnp.int32, L) * 4
    c7 = jnp.full((L,), 7, jnp.int32)
    c5 = jnp.full((L,), 5, jnp.int32)
    c31 = jnp.full((L,), 31, jnp.int32)
    c1 = jnp.full((L,), 1, jnp.int32)

    def chunk_body(g, carry):
        kbase = pl.multiple_of(wid * jnp.int32(KPT) + g * jnp.int32(CHUNK), 8)
        xrow = kbase // jnp.int32(CHUNK)
        pltpu.sync_copy(x_hbm.at[xrow, :], xbuf)

        def idx_body(t, c2):
            o = t * jnp.int32(64)
            for j in range(4):
                hi = plsc.load_gather(xbuf, [lanes4 + (o + jnp.int32(j))])
                i24 = lax.shift_right_logical(hi, c7)
                wqbuf[pl.ds(o + jnp.int32(j * 16), L)] = lax.shift_right_logical(i24, c5)
                bpbuf[pl.ds(o + jnp.int32(j * 16), L)] = lax.bitwise_and(i24, c31)
            return c2
        lax.fori_loop(jnp.int32(0), jnp.int32(GROUPS), idx_body, jnp.int32(0), unroll=False)

        pltpu.sync_copy(tab_sh.at[wqbuf], twbuf)

        def pack_body(t, c2):
            o = t * jnp.int32(64)
            acc = jnp.zeros((L,), jnp.int32)
            for j in range(4):
                tw = twbuf[pl.ds(o + jnp.int32(j * 16), L)]
                bp = bpbuf[pl.ds(o + jnp.int32(j * 16), L)]
                bit = lax.bitwise_and(lax.shift_right_logical(tw, bp), c1)
                if j:
                    bit = lax.shift_left(bit, jnp.full((L,), 8 * j, jnp.int32))
                acc = lax.bitwise_or(acc, bit)
            obuf[t >> 3, pl.ds((t & jnp.int32(7)) * jnp.int32(16), L)] = acc
            return c2
        lax.fori_loop(jnp.int32(0), jnp.int32(GROUPS), pack_body, jnp.int32(0), unroll=False)

        orow = pl.multiple_of(kbase // jnp.int32(4 * 128), 8)
        pltpu.sync_copy(obuf, out8_hbm.at[pl.ds(orow, CHUNK // 4 // 128), :])
        return carry

    lax.fori_loop(jnp.int32(0), jnp.int32(NCHUNK), chunk_body, jnp.int32(0), unroll=False)


def kernel(x, is_training, test_local_stats, binary_set):
    xhi = lax.shift_right_logical(x, 32).astype(jnp.int32)
    x32 = xhi.reshape(N // CHUNK, CHUNK)
    tab = lax.bitcast_convert_type(
        binary_set.reshape(TW // 128, 128, 4), jnp.int32).reshape(TW)
    outw = _lcg_sc(x32, tab)
    outb = lax.bitcast_convert_type(outw, jnp.uint8)
    return outb.reshape(N).astype(jnp.bool_)

# --- scband reference (transcript-rebuilt; emitter-appended) ---
"""Pipeline reference for scband-lcghash-19069654794741 (READ-ONLY COPY).

The authoritative reference and input builder live on the scoring server;
editing this copy changes nothing except your own understanding.
"""

import jax, jax.numpy as jnp
import numpy as np

jax.config.update("jax_enable_x64", True)

BITS_PER_HASH = 24
MULTIPLIER = 6364136223846793005
INCREMENT = 1
N = 8388608


def setup_inputs(seed: int = 0) -> dict:
    key = jax.random.key(seed)
    # uniform int64 keys so the high 24 bits (after >> 39) are well distributed
    x = jax.random.randint(key, (N,), 0, 9223372036854775807, dtype=jnp.int64)
    # module state created in __init__: 2**(bits_per_hash-3) zero bytes
    binary_set = jnp.zeros(2 ** (BITS_PER_HASH - 3), dtype=jnp.uint8)
    return {
        "x": x,
        "is_training": True,
        "test_local_stats": False,
        "binary_set": binary_set,
    }


def reference(x, is_training, test_local_stats, binary_set):
    x = jnp.asarray(x, dtype='uint64')
    # faithful translation of the dimension-reducing LCG fold (no-op for 1D x)
    while len(x.shape) > 1:
        accumulator = jnp.zeros(x.shape[:-1])
        for section in jnp.split(x, x.shape[-1], axis=-1):
            accumulator = accumulator * MULTIPLIER
            accumulator = accumulator + INCREMENT
            accumulator = accumulator + section
        x = accumulator
    # note python precedence: x >> (63 - bits_per_hash)
    indices = x >> (63 - BITS_PER_HASH)
    byte_indices = indices // 8
    bit_indices = indices % 8
    bytes_from_set = binary_set[byte_indices]
    seen = (bytes_from_set & (1 << bit_indices)) > 0
    return seen

if __name__ == "__main__":
    import jax
    _d = setup_inputs()
    print(jax.jit(kernel)(*tuple(_d.values())))

</pallas_src>

<mosaic_0001>
#map = affine_map<(d0, d1) -> (0, 0)>
#map1 = affine_map<(d0, d1) -> (0)>
module attributes {stable_mosaic.version = 14 : i64} {
  func.func @_lcg_sc(%arg0: i32, %arg1: i32, %arg2: memref<512x16384xi32, #tpu.memory_space<hbm>>, %arg3: memref<524288xi32, #tpu.memory_space<hbm>>, %arg4: memref<16384x128xi32, #tpu.memory_space<hbm>>, %arg5: memref<524288xi32, #tpu.memory_space<vmem_shared>>, %arg6: memref<16384xi32, #tpu.memory_space<vmem>>, %arg7: memref<16384xi32, #tpu.memory_space<vmem>>, %arg8: memref<16384xi32, #tpu.memory_space<vmem>>, %arg9: memref<16384xi32, #tpu.memory_space<vmem>>, %arg10: memref<32x128xi32, #tpu.memory_space<vmem>>) attributes {dimension_semantics = [#tpu.dimension_semantics<core_parallel>, #tpu.dimension_semantics<subcore_parallel>], iteration_bounds = array<i64: 2, 16>, scalar_prefetch = 0 : i64, scratch_operands = 6 : i64, tpu.core_type = #tpu.core_type<sc_vector_subcore>, window_params = [{transform_indices = #map}, {transform_indices = #map1}, {transform_indices = #map}]} {
    %mul3A = arith.constant 2 : i32
    %mul3A_0 = arith.muli %arg1, %mul3A : i32
    %add3A = arith.addi %mul3A_0, %arg0 : i32
    %mul3A_1 = arith.constant 32768 : i32
    %mul3A_2 = arith.muli %arg1, %mul3A_1 : i32
    %add3A_3 = arith.constant 0 : i32
    %add3A_4 = arith.addi %mul3A_2, %add3A_3 : i32
    %multiple_of3A = tpu.assume_multiple %add3A_4, 8 : i32
    "tpu.region"() ({
      %run_scoped3A = tpu.sem_alloc : memref<!tpu.dma_semaphore, #tpu.memory_space<semaphore_mem>>
      %dma_start3A = tpu.memref_slice %arg3[%multiple_of3A] : memref<524288xi32, #tpu.memory_space<hbm>> -> memref<16384xi32, #tpu.memory_space<hbm>>
      %dma_start3A_30 = tpu.memref_slice %arg3[%multiple_of3A] : memref<524288xi32, #tpu.memory_space<hbm>> -> memref<16384xi32, #tpu.memory_space<hbm>>
      tpu.enqueue_dma source(%dma_start3A_30 : memref<16384xi32, #tpu.memory_space<hbm>>) target(%arg6 : memref<16384xi32, #tpu.memory_space<vmem>>) target_semaphore(%run_scoped3A : memref<!tpu.dma_semaphore, #tpu.memory_space<semaphore_mem>>)
      %dma_wait3A = tpu.memref_slice %arg3[%multiple_of3A] : memref<524288xi32, #tpu.memory_space<hbm>> -> memref<16384xi32, #tpu.memory_space<hbm>>
      %dma_wait3A_31 = tpu.memref_slice %arg3[%multiple_of3A] : memref<524288xi32, #tpu.memory_space<hbm>> -> memref<16384xi32, #tpu.memory_space<hbm>>
      tpu.wait_dma2 semaphore(%run_scoped3A : memref<!tpu.dma_semaphore, #tpu.memory_space<semaphore_mem>>) src(%dma_wait3A_31 : memref<16384xi32, #tpu.memory_space<hbm>>) dst(%arg6 : memref<16384xi32, #tpu.memory_space<vmem>>)
      tpu.yield
    }) : () -> ()
    "tpu.region"() ({
      %run_scoped3A = tpu.sem_alloc : memref<!tpu.dma_semaphore, #tpu.memory_space<semaphore_mem>>
      %dma_start3A = tpu.memref_slice %arg5[%multiple_of3A] : memref<524288xi32, #tpu.memory_space<vmem_shared>> -> memref<16384xi32, #tpu.memory_space<vmem_shared>>
      %dma_start3A_30 = tpu.memref_slice %arg5[%multiple_of3A] : memref<524288xi32, #tpu.memory_space<vmem_shared>> -> memref<16384xi32, #tpu.memory_space<vmem_shared>>
      tpu.enqueue_dma source(%arg6 : memref<16384xi32, #tpu.memory_space<vmem>>) target(%dma_start3A_30 : memref<16384xi32, #tpu.memory_space<vmem_shared>>) target_semaphore(%run_scoped3A : memref<!tpu.dma_semaphore, #tpu.memory_space<semaphore_mem>>)
      %dma_wait3A = tpu.memref_slice %arg5[%multiple_of3A] : memref<524288xi32, #tpu.memory_space<vmem_shared>> -> memref<16384xi32, #tpu.memory_space<vmem_shared>>
      %dma_wait3A_31 = tpu.memref_slice %arg5[%multiple_of3A] : memref<524288xi32, #tpu.memory_space<vmem_shared>> -> memref<16384xi32, #tpu.memory_space<vmem_shared>>
      tpu.wait_dma2 semaphore(%run_scoped3A : memref<!tpu.dma_semaphore, #tpu.memory_space<semaphore_mem>>) src(%arg6 : memref<16384xi32, #tpu.memory_space<vmem>>) dst(%dma_wait3A_31 : memref<16384xi32, #tpu.memory_space<vmem_shared>>)
      tpu.yield
    }) : () -> ()
    %mul3A_5 = arith.constant 32768 : i32
    %mul3A_6 = arith.muli %arg1, %mul3A_5 : i32
    %add3A_7 = arith.constant 16384 : i32
    %add3A_8 = arith.addi %mul3A_6, %add3A_7 : i32
    %multiple_of3A_9 = tpu.assume_multiple %add3A_8, 8 : i32
    "tpu.region"() ({
      %run_scoped3A = tpu.sem_alloc : memref<!tpu.dma_semaphore, #tpu.memory_space<semaphore_mem>>
      %dma_start3A = tpu.memref_slice %arg3[%multiple_of3A_9] : memref<524288xi32, #tpu.memory_space<hbm>> -> memref<16384xi32, #tpu.memory_space<hbm>>
      %dma_start3A_30 = tpu.memref_slice %arg3[%multiple_of3A_9] : memref<524288xi32, #tpu.memory_space<hbm>> -> memref<16384xi32, #tpu.memory_space<hbm>>
      tpu.enqueue_dma source(%dma_start3A_30 : memref<16384xi32, #tpu.memory_space<hbm>>) target(%arg6 : memref<16384xi32, #tpu.memory_space<vmem>>) target_semaphore(%run_scoped3A : memref<!tpu.dma_semaphore, #tpu.memory_space<semaphore_mem>>)
      %dma_wait3A = tpu.memref_slice %arg3[%multiple_of3A_9] : memref<524288xi32, #tpu.memory_space<hbm>> -> memref<16384xi32, #tpu.memory_space<hbm>>
      %dma_wait3A_31 = tpu.memref_slice %arg3[%multiple_of3A_9] : memref<524288xi32, #tpu.memory_space<hbm>> -> memref<16384xi32, #tpu.memory_space<hbm>>
      tpu.wait_dma2 semaphore(%run_scoped3A : memref<!tpu.dma_semaphore, #tpu.memory_space<semaphore_mem>>) src(%dma_wait3A_31 : memref<16384xi32, #tpu.memory_space<hbm>>) dst(%arg6 : memref<16384xi32, #tpu.memory_space<vmem>>)
      tpu.yield
    }) : () -> ()
    "tpu.region"() ({
      %run_scoped3A = tpu.sem_alloc : memref<!tpu.dma_semaphore, #tpu.memory_space<semaphore_mem>>
      %dma_start3A = tpu.memref_slice %arg5[%multiple_of3A_9] : memref<524288xi32, #tpu.memory_space<vmem_shared>> -> memref<16384xi32, #tpu.memory_space<vmem_shared>>
      %dma_start3A_30 = tpu.memref_slice %arg5[%multiple_of3A_9] : memref<524288xi32, #tpu.memory_space<vmem_shared>> -> memref<16384xi32, #tpu.memory_space<vmem_shared>>
      tpu.enqueue_dma source(%arg6 : memref<16384xi32, #tpu.memory_space<vmem>>) target(%dma_start3A_30 : memref<16384xi32, #tpu.memory_space<vmem_shared>>) target_semaphore(%run_scoped3A : memref<!tpu.dma_semaphore, #tpu.memory_space<semaphore_mem>>)
      %dma_wait3A = tpu.memref_slice %arg5[%multiple_of3A_9] : memref<524288xi32, #tpu.memory_space<vmem_shared>> -> memref<16384xi32, #tpu.memory_space<vmem_shared>>
      %dma_wait3A_31 = tpu.memref_slice %arg5[%multiple_of3A_9] : memref<524288xi32, #tpu.memory_space<vmem_shared>> -> memref<16384xi32, #tpu.memory_space<vmem_shared>>
      tpu.wait_dma2 semaphore(%run_scoped3A : memref<!tpu.dma_semaphore, #tpu.memory_space<semaphore_mem>>) src(%arg6 : memref<16384xi32, #tpu.memory_space<vmem>>) dst(%dma_wait3A_31 : memref<16384xi32, #tpu.memory_space<vmem_shared>>)
      tpu.yield
    }) : () -> ()
    %barrier3A = arith.constant 0 : index
    tpu.barrier barrier_id(%barrier3A)
    %iota3A = tpu.iota {dimensions = array<i32: 0>} : vector<16xi32>
    %mul3A_10 = arith.constant 4 : i32
    %mul3A_11 = vector.broadcast %mul3A_10 : i32 to vector<16xi32>
    %mul3A_12 = arith.muli %iota3A, %mul3A_11 : vector<16xi32>
    %broadcast_in_dim3A = arith.constant 7 : i32
    %broadcast_in_dim3A_13 = vector.broadcast %broadcast_in_dim3A : i32 to vector<16xi32>
    %broadcast_in_dim3A_14 = arith.constant 5 : i32
    %broadcast_in_dim3A_15 = vector.broadcast %broadcast_in_dim3A_14 : i32 to vector<16xi32>
    %broadcast_in_dim3A_16 = arith.constant 31 : i32
    %broadcast_in_dim3A_17 = vector.broadcast %broadcast_in_dim3A_16 : i32 to vector<16xi32>
    %broadcast_in_dim3A_18 = arith.constant 1 : i32
    %broadcast_in_dim3A_19 = vector.broadcast %broadcast_in_dim3A_18 : i32 to vector<16xi32>
    %while3A = arith.constant 0 : i32
    %while3A_20 = arith.constant 0 : i32
    %while3A_21 = arith.constant 16 : i32
    %while3A_22 = arith.subi %while3A_21, %while3A_20 : i32
    %while3A_23 = arith.addi %while3A_20, %while3A_22 : i32
    %while3A_24 = arith.constant 1 : i32
    %while3A_25 = arith.divsi %while3A_22, %while3A_24 : i32
    %while3A_26 = arith.muli %while3A_25, %while3A_24 : i32
    %while3A_27 = arith.addi %while3A_20, %while3A_26 : i32
    %while3A_28 = arith.constant 1 : i32
    scf.for %while3A_30 = %while3A_20 to %while3A_27 step %while3A_28  : i32 {
      %mul3A_31 = arith.constant 262144 : i32
      %mul3A_32 = arith.muli %add3A, %mul3A_31 : i32
      %mul3A_33 = arith.constant 16384 : i32
      %mul3A_34 = arith.muli %while3A_30, %mul3A_33 : i32
      %add3A_35 = arith.addi %mul3A_32, %mul3A_34 : i32
      %multiple_of3A_36 = tpu.assume_multiple %add3A_35, 8 : i32
      %jit3A = arith.constant 16384 : i32
      %div3A = arith.divsi %multiple_of3A_36, %jit3A : i32
      %sign3A = arith.constant 0 : i32
      %sign3A_37 = arith.cmpi sgt, %multiple_of3A_36, %sign3A : i32
      %sign3A_38 = arith.extui %sign3A_37 : i1 to i32
      %sign3A_39 = arith.constant 0 : i32
      %sign3A_40 = arith.cmpi slt, %multiple_of3A_36, %sign3A_39 : i32
      %sign3A_41 = arith.extui %sign3A_40 : i1 to i32
      %sign3A_42 = arith.subi %sign3A_38, %sign3A_41 : i32
      %sign3A_43 = arith.constant 0 : i32
      %sign3A_44 = arith.cmpi sgt, %jit3A, %sign3A_43 : i32
      %sign3A_45 = arith.extui %sign3A_44 : i1 to i32
      %sign3A_46 = arith.constant 0 : i32
      %sign3A_47 = arith.cmpi slt, %jit3A, %sign3A_46 : i32
      %sign3A_48 = arith.extui %sign3A_47 : i1 to i32
      %sign3A_49 = arith.subi %sign3A_45, %sign3A_48 : i32
      %ne3A = arith.cmpi ne, %sign3A_42, %sign3A_49 : i32
      %rem3A = arith.remsi %multiple_of3A_36, %jit3A : i32
      %ne3A_50 = arith.constant 0 : i32
      %ne3A_51 = arith.cmpi ne, %rem3A, %ne3A_50 : i32
      %and3A = arith.andi %ne3A, %ne3A_51 : i1
      %sub3A = arith.constant 1 : i32
      %sub3A_52 = arith.subi %div3A, %sub3A : i32
      %select_n3A = arith.select %and3A, %sub3A_52, %div3A : i32
      "tpu.region"() ({
        %run_scoped3A = tpu.sem_alloc : memref<!tpu.dma_semaphore, #tpu.memory_space<semaphore_mem>>
        %dma_start3A = arith.constant 0 : i32
        %dma_start3A_100 = tpu.memref_slice %arg2[%select_n3A, %dma_start3A] : memref<512x16384xi32, #tpu.memory_space<hbm>> -> memref<1x16384xi32, #tpu.memory_space<hbm>>
        %dma_start3A_101 = tpu.memref_squeeze %dma_start3A_100 : memref<1x16384xi32, #tpu.memory_space<hbm>> -> memref<16384xi32, #tpu.memory_space<hbm>>
        %dma_start3A_102 = arith.constant 0 : i32
        %dma_start3A_103 = tpu.memref_slice %arg2[%select_n3A, %dma_start3A_102] : memref<512x16384xi32, #tpu.memory_space<hbm>> -> memref<1x16384xi32, #tpu.memory_space<hbm>>
        %dma_start3A_104 = tpu.memref_squeeze %dma_start3A_103 : memref<1x16384xi32, #tpu.memory_space<hbm>> -> memref<16384xi32, #tpu.memory_space<hbm>>
        tpu.enqueue_dma source(%dma_start3A_104 : memref<16384xi32, #tpu.memory_space<hbm>>) target(%arg6 : memref<16384xi32, #tpu.memory_space<vmem>>) target_semaphore(%run_scoped3A : memref<!tpu.dma_semaphore, #tpu.memory_space<semaphore_mem>>)
        %dma_wait3A = arith.constant 0 : i32
        %dma_wait3A_105 = tpu.memref_slice %arg2[%select_n3A, %dma_wait3A] : memref<512x16384xi32, #tpu.memory_space<hbm>> -> memref<1x16384xi32, #tpu.memory_space<hbm>>
        %dma_wait3A_106 = tpu.memref_squeeze %dma_wait3A_105 : memref<1x16384xi32, #tpu.memory_space<hbm>> -> memref<16384xi32, #tpu.memory_space<hbm>>
        %dma_wait3A_107 = arith.constant 0 : i32
        %dma_wait3A_108 = tpu.memref_slice %arg2[%select_n3A, %dma_wait3A_107] : memref<512x16384xi32, #tpu.memory_space<hbm>> -> memref<1x16384xi32, #tpu.memory_space<hbm>>
        %dma_wait3A_109 = tpu.memref_squeeze %dma_wait3A_108 : memref<1x16384xi32, #tpu.memory_space<hbm>> -> memref<16384xi32, #tpu.memory_space<hbm>>
        tpu.wait_dma2 semaphore(%run_scoped3A : memref<!tpu.dma_semaphore, #tpu.memory_space<semaphore_mem>>) src(%dma_wait3A_109 : memref<16384xi32, #tpu.memory_space<hbm>>) dst(%arg6 : memref<16384xi32, #tpu.memory_space<vmem>>)
        tpu.yield
      }) : () -> ()
      %while3A_53 = arith.constant 0 : i32
      %while3A_54 = arith.constant 0 : i32
      %while3A_55 = arith.constant 256 : i32
      %while3A_56 = arith.subi %while3A_55, %while3A_54 : i32
      %while3A_57 = arith.addi %while3A_54, %while3A_56 : i32
      %while3A_58 = arith.constant 1 : i32
      %while3A_59 = arith.divsi %while3A_56, %while3A_58 : i32
      %while3A_60 = arith.muli %while3A_59, %while3A_58 : i32
      %while3A_61 = arith.addi %while3A_54, %while3A_60 : i32
      %while3A_62 = arith.constant 1 : i32
      scf.for %while3A_100 = %while3A_54 to %while3A_61 step %while3A_62  : i32 {
        %mul3A_101 = arith.constant 64 : i32
        %mul3A_102 = arith.muli %while3A_100, %mul3A_101 : i32
        %add3A_103 = arith.constant 0 : i32
        %add3A_104 = arith.addi %mul3A_102, %add3A_103 : i32
        %add3A_105 = vector.broadcast %add3A_104 : i32 to vector<16xi32>
        %add3A_106 = arith.addi %mul3A_12, %add3A_105 : vector<16xi32>
        %gather3A = tpu.vector_load_idx %arg6[%add3A_106] : memref<16384xi32, #tpu.memory_space<vmem>>[vector<16xi32>], vector<16xi32>,
        %shift_right_logical3A = arith.shrui %gather3A, %broadcast_in_dim3A_13 : vector<16xi32>
        %shift_right_logical3A_107 = arith.shrui %shift_right_logical3A, %broadcast_in_dim3A_15 : vector<16xi32>
        %add3A_108 = arith.constant 0 : i32
        %add3A_109 = arith.addi %mul3A_102, %add3A_108 : i32
        %swap3A = arith.index_cast %add3A_109 : i32 to index
        %swap3A_110 = tpu.vector_load %arg7[%swap3A] {strides = array<i32>} : memref<16384xi32, #tpu.memory_space<vmem>>, vector<16xi32>,
        tpu.vector_store %arg7[%swap3A], %shift_right_logical3A_107 {strides = array<i32>} : memref<16384xi32, #tpu.memory_space<vmem>>, vector<16xi32>,
        %and3A_111 = arith.andi %shift_right_logical3A, %broadcast_in_dim3A_17 : vector<16xi32>
        %add3A_112 = arith.constant 0 : i32
        %add3A_113 = arith.addi %mul3A_102, %add3A_112 : i32
        %swap3A_114 = arith.index_cast %add3A_113 : i32 to index
        %swap3A_115 = tpu.vector_load %arg8[%swap3A_114] {strides = array<i32>} : memref<16384xi32, #tpu.memory_space<vmem>>, vector<16xi32>,
        tpu.vector_store %arg8[%swap3A_114], %and3A_111 {strides = array<i32>} : memref<16384xi32, #tpu.memory_space<vmem>>, vector<16xi32>,
        %add3A_116 = arith.constant 1 : i32
        %add3A_117 = arith.addi %mul3A_102, %add3A_116 : i32
        %add3A_118 = vector.broadcast %add3A_117 : i32 to vector<16xi32>
        %add3A_119 = arith.addi %mul3A_12, %add3A_118 : vector<16xi32>
        %gather3A_120 = tpu.vector_load_idx %arg6[%add3A_119] : memref<16384xi32, #tpu.memory_space<vmem>>[vector<16xi32>], vector<16xi32>,
        %shift_right_logical3A_121 = arith.shrui %gather3A_120, %broadcast_in_dim3A_13 : vector<16xi32>
        %shift_right_logical3A_122 = arith.shrui %shift_right_logical3A_121, %broadcast_in_dim3A_15 : vector<16xi32>
        %add3A_123 = arith.constant 16 : i32
        %add3A_124 = arith.addi %mul3A_102, %add3A_123 : i32
        %swap3A_125 = arith.index_cast %add3A_124 : i32 to index
        %swap3A_126 = tpu.vector_load %arg7[%swap3A_125] {strides = array<i32>} : memref<16384xi32, #tpu.memory_space<vmem>>, vector<16xi32>,
        tpu.vector_store %arg7[%swap3A_125], %shift_right_logical3A_122 {strides = array<i32>} : memref<16384xi32, #tpu.memory_space<vmem>>, vector<16xi32>,
        %and3A_127 = arith.andi %shift_right_logical3A_121, %broadcast_in_dim3A_17 : vector<16xi32>
        %add3A_128 = arith.constant 16 : i32
        %add3A_129 = arith.addi %mul3A_102, %add3A_128 : i32
        %swap3A_130 = arith.index_cast %add3A_129 : i32 to index
        %swap3A_131 = tpu.vector_load %arg8[%swap3A_130] {strides = array<i32>} : memref<16384xi32, #tpu.memory_space<vmem>>, vector<16xi32>,
        tpu.vector_store %arg8[%swap3A_130], %and3A_127 {strides = array<i32>} : memref<16384xi32, #tpu.memory_space<vmem>>, vector<16xi32>,
        %add3A_132 = arith.constant 2 : i32
        %add3A_133 = arith.addi %mul3A_102, %add3A_132 : i32
        %add3A_134 = vector.broadcast %add3A_133 : i32 to vector<16xi32>
        %add3A_135 = arith.addi %mul3A_12, %add3A_134 : vector<16xi32>
        %gather3A_136 = tpu.vector_load_idx %arg6[%add3A_135] : memref<16384xi32, #tpu.memory_space<vmem>>[vector<16xi32>], vector<16xi32>,
        %shift_right_logical3A_137 = arith.shrui %gather3A_136, %broadcast_in_dim3A_13 : vector<16xi32>
        %shift_right_logical3A_138 = arith.shrui %shift_right_logical3A_137, %broadcast_in_dim3A_15 : vector<16xi32>
        %add3A_139 = arith.constant 32 : i32
        %add3A_140 = arith.addi %mul3A_102, %add3A_139 : i32
        %swap3A_141 = arith.index_cast %add3A_140 : i32 to index
        %swap3A_142 = tpu.vector_load %arg7[%swap3A_141] {strides = array<i32>} : memref<16384xi32, #tpu.memory_space<vmem>>, vector<16xi32>,
        tpu.vector_store %arg7[%swap3A_141], %shift_right_logical3A_138 {strides = array<i32>} : memref<16384xi32, #tpu.memory_space<vmem>>, vector<16xi32>,
        %and3A_143 = arith.andi %shift_right_logical3A_137, %broadcast_in_dim3A_17 : vector<16xi32>
        %add3A_144 = arith.constant 32 : i32
        %add3A_145 = arith.addi %mul3A_102, %add3A_144 : i32
        %swap3A_146 = arith.index_cast %add3A_145 : i32 to index
        %swap3A_147 = tpu.vector_load %arg8[%swap3A_146] {strides = array<i32>} : memref<16384xi32, #tpu.memory_space<vmem>>, vector<16xi32>,
        tpu.vector_store %arg8[%swap3A_146], %and3A_143 {strides = array<i32>} : memref<16384xi32, #tpu.memory_space<vmem>>, vector<16xi32>,
        %add3A_148 = arith.constant 3 : i32
        %add3A_149 = arith.addi %mul3A_102, %add3A_148 : i32
        %add3A_150 = vector.broadcast %add3A_149 : i32 to vector<16xi32>
        %add3A_151 = arith.addi %mul3A_12, %add3A_150 : vector<16xi32>
        %gather3A_152 = tpu.vector_load_idx %arg6[%add3A_151] : memref<16384xi32, #tpu.memory_space<vmem>>[vector<16xi32>], vector<16xi32>,
        %shift_right_logical3A_153 = arith.shrui %gather3A_152, %broadcast_in_dim3A_13 : vector<16xi32>
        %shift_right_logical3A_154 = arith.shrui %shift_right_logical3A_153, %broadcast_in_dim3A_15 : vector<16xi32>
        %add3A_155 = arith.constant 48 : i32
        %add3A_156 = arith.addi %mul3A_102, %add3A_155 : i32
        %swap3A_157 = arith.index_cast %add3A_156 : i32 to index
        %swap3A_158 = tpu.vector_load %arg7[%swap3A_157] {strides = array<i32>} : memref<16384xi32, #tpu.memory_space<vmem>>, vector<16xi32>,
        tpu.vector_store %arg7[%swap3A_157], %shift_right_logical3A_154 {strides = array<i32>} : memref<16384xi32, #tpu.memory_space<vmem>>, vector<16xi32>,
        %and3A_159 = arith.andi %shift_right_logical3A_153, %broadcast_in_dim3A_17 : vector<16xi32>
        %add3A_160 = arith.constant 48 : i32
        %add3A_161 = arith.addi %mul3A_102, %add3A_160 : i32
        %swap3A_162 = arith.index_cast %add3A_161 : i32 to index
        %swap3A_163 = tpu.vector_load %arg8[%swap3A_162] {strides = array<i32>} : memref<16384xi32, #tpu.memory_space<vmem>>, vector<16xi32>,
        tpu.vector_store %arg8[%swap3A_162], %and3A_159 {strides = array<i32>} : memref<16384xi32, #tpu.memory_space<vmem>>, vector<16xi32>,
      }
      %while3A_63 = arith.constant 1 : i32
      scf.for %while3A_100 = %while3A_61 to %while3A_57 step %while3A_63  : i32 {
        %mul3A_101 = arith.constant 64 : i32
        %mul3A_102 = arith.muli %while3A_100, %mul3A_101 : i32
        %add3A_103 = arith.constant 0 : i32
        %add3A_104 = arith.addi %mul3A_102, %add3A_103 : i32
        %add3A_105 = vector.broadcast %add3A_104 : i32 to vector<16xi32>
        %add3A_106 = arith.addi %mul3A_12, %add3A_105 : vector<16xi32>
        %gather3A = tpu.vector_load_idx %arg6[%add3A_106] : memref<16384xi32, #tpu.memory_space<vmem>>[vector<16xi32>], vector<16xi32>,
        %shift_right_logical3A = arith.shrui %gather3A, %broadcast_in_dim3A_13 : vector<16xi32>
        %shift_right_logical3A_107 = arith.shrui %shift_right_logical3A, %broadcast_in_dim3A_15 : vector<16xi32>
        %add3A_108 = arith.constant 0 : i32
        %add3A_109 = arith.addi %mul3A_102, %add3A_108 : i32
        %swap3A = arith.index_cast %add3A_109 : i32 to index
        %swap3A_110 = tpu.vector_load %arg7[%swap3A] {strides = array<i32>} : memref<16384xi32, #tpu.memory_space<vmem>>, vector<16xi32>,
        tpu.vector_store %arg7[%swap3A], %shift_right_logical3A_107 {strides = array<i32>} : memref<16384xi32, #tpu.memory_space<vmem>>, vector<16xi32>,
        %and3A_111 = arith.andi %shift_right_logical3A, %broadcast_in_dim3A_17 : vector<16xi32>
        %add3A_112 = arith.constant 0 : i32
        %add3A_113 = arith.addi %mul3A_102, %add3A_112 : i32
        %swap3A_114 = arith.index_cast %add3A_113 : i32 to index
        %swap3A_115 = tpu.vector_load %arg8[%swap3A_114] {strides = array<i32>} : memref<16384xi32, #tpu.memory_space<vmem>>, vector<16xi32>,
        tpu.vector_store %arg8[%swap3A_114], %and3A_111 {strides = array<i32>} : memref<16384xi32, #tpu.memory_space<vmem>>, vector<16xi32>,
        %add3A_116 = arith.constant 1 : i32
        %add3A_117 = arith.addi %mul3A_102, %add3A_116 : i32
        %add3A_118 = vector.broadcast %add3A_117 : i32 to vector<16xi32>
        %add3A_119 = arith.addi %mul3A_12, %add3A_118 : vector<16xi32>
        %gather3A_120 = tpu.vector_load_idx %arg6[%add3A_119] : memref<16384xi32, #tpu.memory_space<vmem>>[vector<16xi32>], vector<16xi32>,
        %shift_right_logical3A_121 = arith.shrui %gather3A_120, %broadcast_in_dim3A_13 : vector<16xi32>
        %shift_right_logical3A_122 = arith.shrui %shift_right_logical3A_121, %broadcast_in_dim3A_15 : vector<16xi32>
        %add3A_123 = arith.constant 16 : i32
        %add3A_124 = arith.addi %mul3A_102, %add3A_123 : i32
        %swap3A_125 = arith.index_cast %add3A_124 : i32 to index
        %swap3A_126 = tpu.vector_load %arg7[%swap3A_125] {strides = array<i32>} : memref<16384xi32, #tpu.memory_space<vmem>>, vector<16xi32>,
        tpu.vector_store %arg7[%swap3A_125], %shift_right_logical3A_122 {strides = array<i32>} : memref<16384xi32, #tpu.memory_space<vmem>>, vector<16xi32>,
        %and3A_127 = arith.andi %shift_right_logical3A_121, %broadcast_in_dim3A_17 : vector<16xi32>
        %add3A_128 = arith.constant 16 : i32
        %add3A_129 = arith.addi %mul3A_102, %add3A_128 : i32
        %swap3A_130 = arith.index_cast %add3A_129 : i32 to index
        %swap3A_131 = tpu.vector_load %arg8[%swap3A_130] {strides = array<i32>} : memref<16384xi32, #tpu.memory_space<vmem>>, vector<16xi32>,
        tpu.vector_store %arg8[%swap3A_130], %and3A_127 {strides = array<i32>} : memref<16384xi32, #tpu.memory_space<vmem>>, vector<16xi32>,
        %add3A_132 = arith.constant 2 : i32
        %add3A_133 = arith.addi %mul3A_102, %add3A_132 : i32
        %add3A_134 = vector.broadcast %add3A_133 : i32 to vector<16xi32>
        %add3A_135 = arith.addi %mul3A_12, %add3A_134 : vector<16xi32>
        %gather3A_136 = tpu.vector_load_idx %arg6[%add3A_135] : memref<16384xi32, #tpu.memory_space<vmem>>[vector<16xi32>], vector<16xi32>,
        %shift_right_logical3A_137 = arith.shrui %gather3A_136, %broadcast_in_dim3A_13 : vector<16xi32>
        %shift_right_logical3A_138 = arith.shrui %shift_right_logical3A_137, %broadcast_in_dim3A_15 : vector<16xi32>
        %add3A_139 = arith.constant 32 : i32
        %add3A_140 = arith.addi %mul3A_102, %add3A_139 : i32
        %swap3A_141 = arith.index_cast %add3A_140 : i32 to index
        %swap3A_142 = tpu.vector_load %arg7[%swap3A_141] {strides = array<i32>} : memref<16384xi32, #tpu.memory_space<vmem>>, vector<16xi32>,
        tpu.vector_store %arg7[%swap3A_141], %shift_right_logical3A_138 {strides = array<i32>} : memref<16384xi32, #tpu.memory_space<vmem>>, vector<16xi32>,
        %and3A_143 = arith.andi %shift_right_logical3A_137, %broadcast_in_dim3A_17 : vector<16xi32>
        %add3A_144 = arith.constant 32 : i32
        %add3A_145 = arith.addi %mul3A_102, %add3A_144 : i32
        %swap3A_146 = arith.index_cast %add3A_145 : i32 to index
        %swap3A_147 = tpu.vector_load %arg8[%swap3A_146] {strides = array<i32>} : memref<16384xi32, #tpu.memory_space<vmem>>, vector<16xi32>,
        tpu.vector_store %arg8[%swap3A_146], %and3A_143 {strides = array<i32>} : memref<16384xi32, #tpu.memory_space<vmem>>, vector<16xi32>,
        %add3A_148 = arith.constant 3 : i32
        %add3A_149 = arith.addi %mul3A_102, %add3A_148 : i32
        %add3A_150 = vector.broadcast %add3A_149 : i32 to vector<16xi32>
        %add3A_151 = arith.addi %mul3A_12, %add3A_150 : vector<16xi32>
        %gather3A_152 = tpu.vector_load_idx %arg6[%add3A_151] : memref<16384xi32, #tpu.memory_space<vmem>>[vector<16xi32>], vector<16xi32>,
        %shift_right_logical3A_153 = arith.shrui %gather3A_152, %broadcast_in_dim3A_13 : vector<16xi32>
        %shift_right_logical3A_154 = arith.shrui %shift_right_logical3A_153, %broadcast_in_dim3A_15 : vector<16xi32>
        %add3A_155 = arith.constant 48 : i32
        %add3A_156 = arith.addi %mul3A_102, %add3A_155 : i32
        %swap3A_157 = arith.index_cast %add3A_156 : i32 to index
        %swap3A_158 = tpu.vector_load %arg7[%swap3A_157] {strides = array<i32>} : memref<16384xi32, #tpu.memory_space<vmem>>, vector<16xi32>,
        tpu.vector_store %arg7[%swap3A_157], %shift_right_logical3A_154 {strides = array<i32>} : memref<16384xi32, #tpu.memory_space<vmem>>, vector<16xi32>,
        %and3A_159 = arith.andi %shift_right_logical3A_153, %broadcast_in_dim3A_17 : vector<16xi32>
        %add3A_160 = arith.constant 48 : i32
        %add3A_161 = arith.addi %mul3A_102, %add3A_160 : i32
        %swap3A_162 = arith.index_cast %add3A_161 : i32 to index
        %swap3A_163 = tpu.vector_load %arg8[%swap3A_162] {strides = array<i32>} : memref<16384xi32, #tpu.memory_space<vmem>>, vector<16xi32>,
        tpu.vector_store %arg8[%swap3A_162], %and3A_159 {strides = array<i32>} : memref<16384xi32, #tpu.memory_space<vmem>>, vector<16xi32>,
      }
      "tpu.region"() ({
        %run_scoped3A = tpu.sem_alloc : memref<!tpu.dma_semaphore, #tpu.memory_space<semaphore_mem>>
        %dma_start3A = arith.constant 0 : i32
        %dma_start3A_100 = tpu.memref_slice %arg5[%dma_start3A] : memref<524288xi32, #tpu.memory_space<vmem_shared>> -> memref<524288xi32, #tpu.memory_space<vmem_shared>>
        tpu.enqueue_indirect_dma source(%dma_start3A_100 : memref<524288xi32, #tpu.memory_space<vmem_shared>>) target(%arg9 : memref<16384xi32, #tpu.memory_space<vmem>>) offsets(%arg7 : memref<16384xi32, #tpu.memory_space<vmem>>) semaphore(%run_scoped3A : memref<!tpu.dma_semaphore, #tpu.memory_space<semaphore_mem>>)
        %dma_wait3A = arith.constant 0 : i32
        %dma_wait3A_101 = tpu.memref_slice %arg5[%dma_wait3A] : memref<524288xi32, #tpu.memory_space<vmem_shared>> -> memref<524288xi32, #tpu.memory_space<vmem_shared>>
        tpu.wait_indirect_dma semaphore(%run_scoped3A : memref<!tpu.dma_semaphore, #tpu.memory_space<semaphore_mem>>) src(%dma_wait3A_101 : memref<524288xi32, #tpu.memory_space<vmem_shared>>) dst(%arg9 : memref<16384xi32, #tpu.memory_space<vmem>>)
        tpu.yield
      }) : () -> ()
      %while3A_64 = arith.constant 0 : i32
      %while3A_65 = arith.constant 0 : i32
      %while3A_66 = arith.constant 256 : i32
      %while3A_67 = arith.subi %while3A_66, %while3A_65 : i32
      %while3A_68 = arith.addi %while3A_65, %while3A_67 : i32
      %while3A_69 = arith.constant 1 : i32
      %while3A_70 = arith.divsi %while3A_67, %while3A_69 : i32
      %while3A_71 = arith.muli %while3A_70, %while3A_69 : i32
      %while3A_72 = arith.addi %while3A_65, %while3A_71 : i32
      %while3A_73 = arith.constant 1 : i32
      scf.for %while3A_100 = %while3A_65 to %while3A_72 step %while3A_73  : i32 {
        %mul3A_101 = arith.constant 64 : i32
        %mul3A_102 = arith.muli %while3A_100, %mul3A_101 : i32
        %broadcast_in_dim3A_103 = arith.constant 0 : i32
        %broadcast_in_dim3A_104 = vector.broadcast %broadcast_in_dim3A_103 : i32 to vector<16xi32>
        %add3A_105 = arith.constant 0 : i32
        %add3A_106 = arith.addi %mul3A_102, %add3A_105 : i32
        %get3A = arith.index_cast %add3A_106 : i32 to index
        %get3A_107 = tpu.vector_load %arg9[%get3A] {strides = array<i32>} : memref<16384xi32, #tpu.memory_space<vmem>>, vector<16xi32>,
        %add3A_108 = arith.constant 0 : i32
        %add3A_109 = arith.addi %mul3A_102, %add3A_108 : i32
        %get3A_110 = arith.index_cast %add3A_109 : i32 to index
        %get3A_111 = tpu.vector_load %arg8[%get3A_110] {strides = array<i32>} : memref<16384xi32, #tpu.memory_space<vmem>>, vector<16xi32>,
        %shift_right_logical3A = arith.shrui %get3A_107, %get3A_111 : vector<16xi32>
        %and3A_112 = arith.andi %shift_right_logical3A, %broadcast_in_dim3A_19 : vector<16xi32>
        %or3A = arith.ori %broadcast_in_dim3A_104, %and3A_112 : vector<16xi32>
        %add3A_113 = arith.constant 16 : i32
        %add3A_114 = arith.addi %mul3A_102, %add3A_113 : i32
        %get3A_115 = arith.index_cast %add3A_114 : i32 to index
        %get3A_116 = tpu.vector_load %arg9[%get3A_115] {strides = array<i32>} : memref<16384xi32, #tpu.memory_space<vmem>>, vector<16xi32>,
        %add3A_117 = arith.constant 16 : i32
        %add3A_118 = arith.addi %mul3A_102, %add3A_117 : i32
        %get3A_119 = arith.index_cast %add3A_118 : i32 to index
        %get3A_120 = tpu.vector_load %arg8[%get3A_119] {strides = array<i32>} : memref<16384xi32, #tpu.memory_space<vmem>>, vector<16xi32>,
        %shift_right_logical3A_121 = arith.shrui %get3A_116, %get3A_120 : vector<16xi32>
        %and3A_122 = arith.andi %shift_right_logical3A_121, %broadcast_in_dim3A_19 : vector<16xi32>
        %broadcast_in_dim3A_123 = arith.constant 8 : i32
        %broadcast_in_dim3A_124 = vector.broadcast %broadcast_in_dim3A_123 : i32 to vector<16xi32>
        %shift_left3A = arith.shli %and3A_122, %broadcast_in_dim3A_124 : vector<16xi32>
        %or3A_125 = arith.ori %or3A, %shift_left3A : vector<16xi32>
        %add3A_126 = arith.constant 32 : i32
        %add3A_127 = arith.addi %mul3A_102, %add3A_126 : i32
        %get3A_128 = arith.index_cast %add3A_127 : i32 to index
        %get3A_129 = tpu.vector_load %arg9[%get3A_128] {strides = array<i32>} : memref<16384xi32, #tpu.memory_space<vmem>>, vector<16xi32>,
        %add3A_130 = arith.constant 32 : i32
        %add3A_131 = arith.addi %mul3A_102, %add3A_130 : i32
        %get3A_132 = arith.index_cast %add3A_131 : i32 to index
        %get3A_133 = tpu.vector_load %arg8[%get3A_132] {strides = array<i32>} : memref<16384xi32, #tpu.memory_space<vmem>>, vector<16xi32>,
        %shift_right_logical3A_134 = arith.shrui %get3A_129, %get3A_133 : vector<16xi32>
        %and3A_135 = arith.andi %shift_right_logical3A_134, %broadcast_in_dim3A_19 : vector<16xi32>
        %broadcast_in_dim3A_136 = arith.constant 16 : i32
        %broadcast_in_dim3A_137 = vector.broadcast %broadcast_in_dim3A_136 : i32 to vector<16xi32>
        %shift_left3A_138 = arith.shli %and3A_135, %broadcast_in_dim3A_137 : vector<16xi32>
        %or3A_139 = arith.ori %or3A_125, %shift_left3A_138 : vector<16xi32>
        %add3A_140 = arith.constant 48 : i32
        %add3A_141 = arith.addi %mul3A_102, %add3A_140 : i32
        %get3A_142 = arith.index_cast %add3A_141 : i32 to index
        %get3A_143 = tpu.vector_load %arg9[%get3A_142] {strides = array<i32>} : memref<16384xi32, #tpu.memory_space<vmem>>, vector<16xi32>,
        %add3A_144 = arith.constant 48 : i32
        %add3A_145 = arith.addi %mul3A_102, %add3A_144 : i32
        %get3A_146 = arith.index_cast %add3A_145 : i32 to index
        %get3A_147 = tpu.vector_load %arg8[%get3A_146] {strides = array<i32>} : memref<16384xi32, #tpu.memory_space<vmem>>, vector<16xi32>,
        %shift_right_logical3A_148 = arith.shrui %get3A_143, %get3A_147 : vector<16xi32>
        %and3A_149 = arith.andi %shift_right_logical3A_148, %broadcast_in_dim3A_19 : vector<16xi32>
        %broadcast_in_dim3A_150 = arith.constant 24 : i32
        %broadcast_in_dim3A_151 = vector.broadcast %broadcast_in_dim3A_150 : i32 to vector<16xi32>
        %shift_left3A_152 = arith.shli %and3A_149, %broadcast_in_dim3A_151 : vector<16xi32>
        %or3A_153 = arith.ori %or3A_139, %shift_left3A_152 : vector<16xi32>
        %shift_right_arithmetic3A = arith.constant 3 : i32
        %shift_right_arithmetic3A_154 = arith.shrsi %while3A_100, %shift_right_arithmetic3A : i32
        %and3A_155 = arith.constant 7 : i32
        %and3A_156 = arith.andi %while3A_100, %and3A_155 : i32
        %mul3A_157 = arith.constant 16 : i32
        %mul3A_158 = arith.muli %and3A_156, %mul3A_157 : i32
        %swap3A = arith.index_cast %shift_right_arithmetic3A_154 : i32 to index
        %swap3A_159 = arith.index_cast %mul3A_158 : i32 to index
        %swap3A_160 = tpu.vector_load %arg10[%swap3A, %swap3A_159] {strides = array<i32>} : memref<32x128xi32, #tpu.memory_space<vmem>>, vector<16xi32>,
        tpu.vector_store %arg10[%swap3A, %swap3A_159], %or3A_153 {strides = array<i32>} : memref<32x128xi32, #tpu.memory_space<vmem>>, vector<16xi32>,
      }
      %while3A_74 = arith.constant 1 : i32
      scf.for %while3A_100 = %while3A_72 to %while3A_68 step %while3A_74  : i32 {
        %mul3A_101 = arith.constant 64 : i32
        %mul3A_102 = arith.muli %while3A_100, %mul3A_101 : i32
        %broadcast_in_dim3A_103 = arith.constant 0 : i32
        %broadcast_in_dim3A_104 = vector.broadcast %broadcast_in_dim3A_103 : i32 to vector<16xi32>
        %add3A_105 = arith.constant 0 : i32
        %add3A_106 = arith.addi %mul3A_102, %add3A_105 : i32
        %get3A = arith.index_cast %add3A_106 : i32 to index
        %get3A_107 = tpu.vector_load %arg9[%get3A] {strides = array<i32>} : memref<16384xi32, #tpu.memory_space<vmem>>, vector<16xi32>,
        %add3A_108 = arith.constant 0 : i32
        %add3A_109 = arith.addi %mul3A_102, %add3A_108 : i32
        %get3A_110 = arith.index_cast %add3A_109 : i32 to index
        %get3A_111 = tpu.vector_load %arg8[%get3A_110] {strides = array<i32>} : memref<16384xi32, #tpu.memory_space<vmem>>, vector<16xi32>,
        %shift_right_logical3A = arith.shrui %get3A_107, %get3A_111 : vector<16xi32>
        %and3A_112 = arith.andi %shift_right_logical3A, %broadcast_in_dim3A_19 : vector<16xi32>
        %or3A = arith.ori %broadcast_in_dim3A_104, %and3A_112 : vector<16xi32>
        %add3A_113 = arith.constant 16 : i32
        %add3A_114 = arith.addi %mul3A_102, %add3A_113 : i32
        %get3A_115 = arith.index_cast %add3A_114 : i32 to index
        %get3A_116 = tpu.vector_load %arg9[%get3A_115] {strides = array<i32>} : memref<16384xi32, #tpu.memory_space<vmem>>, vector<16xi32>,
        %add3A_117 = arith.constant 16 : i32
        %add3A_118 = arith.addi %mul3A_102, %add3A_117 : i32
        %get3A_119 = arith.index_cast %add3A_118 : i32 to index
        %get3A_120 = tpu.vector_load %arg8[%get3A_119] {strides = array<i32>} : memref<16384xi32, #tpu.memory_space<vmem>>, vector<16xi32>,
        %shift_right_logical3A_121 = arith.shrui %get3A_116, %get3A_120 : vector<16xi32>
        %and3A_122 = arith.andi %shift_right_logical3A_121, %broadcast_in_dim3A_19 : vector<16xi32>
        %broadcast_in_dim3A_123 = arith.constant 8 : i32
        %broadcast_in_dim3A_124 = vector.broadcast %broadcast_in_dim3A_123 : i32 to vector<16xi32>
        %shift_left3A = arith.shli %and3A_122, %broadcast_in_dim3A_124 : vector<16xi32>
        %or3A_125 = arith.ori %or3A, %shift_left3A : vector<16xi32>
        %add3A_126 = arith.constant 32 : i32
        %add3A_127 = arith.addi %mul3A_102, %add3A_126 : i32
        %get3A_128 = arith.index_cast %add3A_127 : i32 to index
        %get3A_129 = tpu.vector_load %arg9[%get3A_128] {strides = array<i32>} : memref<16384xi32, #tpu.memory_space<vmem>>, vector<16xi32>,
        %add3A_130 = arith.constant 32 : i32
        %add3A_131 = arith.addi %mul3A_102, %add3A_130 : i32
        %get3A_132 = arith.index_cast %add3A_131 : i32 to index
        %get3A_133 = tpu.vector_load %arg8[%get3A_132] {strides = array<i32>} : memref<16384xi32, #tpu.memory_space<vmem>>, vector<16xi32>,
        %shift_right_logical3A_134 = arith.shrui %get3A_129, %get3A_133 : vector<16xi32>
        %and3A_135 = arith.andi %shift_right_logical3A_134, %broadcast_in_dim3A_19 : vector<16xi32>
        %broadcast_in_dim3A_136 = arith.constant 16 : i32
        %broadcast_in_dim3A_137 = vector.broadcast %broadcast_in_dim3A_136 : i32 to vector<16xi32>
        %shift_left3A_138 = arith.shli %and3A_135, %broadcast_in_dim3A_137 : vector<16xi32>
        %or3A_139 = arith.ori %or3A_125, %shift_left3A_138 : vector<16xi32>
        %add3A_140 = arith.constant 48 : i32
        %add3A_141 = arith.addi %mul3A_102, %add3A_140 : i32
        %get3A_142 = arith.index_cast %add3A_141 : i32 to index
        %get3A_143 = tpu.vector_load %arg9[%get3A_142] {strides = array<i32>} : memref<16384xi32, #tpu.memory_space<vmem>>, vector<16xi32>,
        %add3A_144 = arith.constant 48 : i32
        %add3A_145 = arith.addi %mul3A_102, %add3A_144 : i32
        %get3A_146 = arith.index_cast %add3A_145 : i32 to index
        %get3A_147 = tpu.vector_load %arg8[%get3A_146] {strides = array<i32>} : memref<16384xi32, #tpu.memory_space<vmem>>, vector<16xi32>,
        %shift_right_logical3A_148 = arith.shrui %get3A_143, %get3A_147 : vector<16xi32>
        %and3A_149 = arith.andi %shift_right_logical3A_148, %broadcast_in_dim3A_19 : vector<16xi32>
        %broadcast_in_dim3A_150 = arith.constant 24 : i32
        %broadcast_in_dim3A_151 = vector.broadcast %broadcast_in_dim3A_150 : i32 to vector<16xi32>
        %shift_left3A_152 = arith.shli %and3A_149, %broadcast_in_dim3A_151 : vector<16xi32>
        %or3A_153 = arith.ori %or3A_139, %shift_left3A_152 : vector<16xi32>
        %shift_right_arithmetic3A = arith.constant 3 : i32
        %shift_right_arithmetic3A_154 = arith.shrsi %while3A_100, %shift_right_arithmetic3A : i32
        %and3A_155 = arith.constant 7 : i32
        %and3A_156 = arith.andi %while3A_100, %and3A_155 : i32
        %mul3A_157 = arith.constant 16 : i32
        %mul3A_158 = arith.muli %and3A_156, %mul3A_157 : i32
        %swap3A = arith.index_cast %shift_right_arithmetic3A_154 : i32 to index
        %swap3A_159 = arith.index_cast %mul3A_158 : i32 to index
        %swap3A_160 = tpu.vector_load %arg10[%swap3A, %swap3A_159] {strides = array<i32>} : memref<32x128xi32, #tpu.memory_space<vmem>>, vector<16xi32>,
        tpu.vector_store %arg10[%swap3A, %swap3A_159], %or3A_153 {strides = array<i32>} : memref<32x128xi32, #tpu.memory_space<vmem>>, vector<16xi32>,
      }
      %jit3A_75 = arith.constant 512 : i32
      %div3A_76 = arith.divsi %multiple_of3A_36, %jit3A_75 : i32
      %sign3A_77 = arith.constant 0 : i32
      %sign3A_78 = arith.cmpi sgt, %multiple_of3A_36, %sign3A_77 : i32
      %sign3A_79 = arith.extui %sign3A_78 : i1 to i32
      %sign3A_80 = arith.constant 0 : i32
      %sign3A_81 = arith.cmpi slt, %multiple_of3A_36, %sign3A_80 : i32
      %sign3A_82 = arith.extui %sign3A_81 : i1 to i32
      %sign3A_83 = arith.subi %sign3A_79, %sign3A_82 : i32
      %sign3A_84 = arith.constant 0 : i32
      %sign3A_85 = arith.cmpi sgt, %jit3A_75, %sign3A_84 : i32
      %sign3A_86 = arith.extui %sign3A_85 : i1 to i32
      %sign3A_87 = arith.constant 0 : i32
      %sign3A_88 = arith.cmpi slt, %jit3A_75, %sign3A_87 : i32
      %sign3A_89 = arith.extui %sign3A_88 : i1 to i32
      %sign3A_90 = arith.subi %sign3A_86, %sign3A_89 : i32
      %ne3A_91 = arith.cmpi ne, %sign3A_83, %sign3A_90 : i32
      %rem3A_92 = arith.remsi %multiple_of3A_36, %jit3A_75 : i32
      %ne3A_93 = arith.constant 0 : i32
      %ne3A_94 = arith.cmpi ne, %rem3A_92, %ne3A_93 : i32
      %and3A_95 = arith.andi %ne3A_91, %ne3A_94 : i1
      %sub3A_96 = arith.constant 1 : i32
      %sub3A_97 = arith.subi %div3A_76, %sub3A_96 : i32
      %select_n3A_98 = arith.select %and3A_95, %sub3A_97, %div3A_76 : i32
      %multiple_of3A_99 = tpu.assume_multiple %select_n3A_98, 8 : i32
      "tpu.region"() ({
        %run_scoped3A = tpu.sem_alloc : memref<!tpu.dma_semaphore, #tpu.memory_space<semaphore_mem>>
        %dma_start3A = arith.constant 0 : i32
        %dma_start3A_100 = tpu.memref_slice %arg4[%multiple_of3A_99, %dma_start3A] : memref<16384x128xi32, #tpu.memory_space<hbm>> -> memref<32x128xi32, #tpu.memory_space<hbm>>
        %dma_start3A_101 = arith.constant 0 : i32
        %dma_start3A_102 = tpu.memref_slice %arg4[%multiple_of3A_99, %dma_start3A_101] : memref<16384x128xi32, #tpu.memory_space<hbm>> -> memref<32x128xi32, #tpu.memory_space<hbm>>
        tpu.enqueue_dma source(%arg10 : memref<32x128xi32, #tpu.memory_space<vmem>>) target(%dma_start3A_102 : memref<32x128xi32, #tpu.memory_space<hbm>>) target_semaphore(%run_scoped3A : memref<!tpu.dma_semaphore, #tpu.memory_space<semaphore_mem>>)
        %dma_wait3A = arith.constant 0 : i32
        %dma_wait3A_103 = tpu.memref_slice %arg4[%multiple_of3A_99, %dma_wait3A] : memref<16384x128xi32, #tpu.memory_space<hbm>> -> memref<32x128xi32, #tpu.memory_space<hbm>>
        %dma_wait3A_104 = arith.constant 0 : i32
        %dma_wait3A_105 = tpu.memref_slice %arg4[%multiple_of3A_99, %dma_wait3A_104] : memref<16384x128xi32, #tpu.memory_space<hbm>> -> memref<32x128xi32, #tpu.memory_space<hbm>>
        tpu.wait_dma2 semaphore(%run_scoped3A : memref<!tpu.dma_semaphore, #tpu.memory_space<semaphore_mem>>) src(%arg10 : memref<32x128xi32, #tpu.memory_space<vmem>>) dst(%dma_wait3A_105 : memref<32x128xi32, #tpu.memory_space<hbm>>)
        tpu.yield
      }) : () -> ()
    }
    %while3A_29 = arith.constant 1 : i32
    scf.for %while3A_30 = %while3A_27 to %while3A_23 step %while3A_29  : i32 {
      %mul3A_31 = arith.constant 262144 : i32
      %mul3A_32 = arith.muli %add3A, %mul3A_31 : i32
      %mul3A_33 = arith.constant 16384 : i32
      %mul3A_34 = arith.muli %while3A_30, %mul3A_33 : i32
      %add3A_35 = arith.addi %mul3A_32, %mul3A_34 : i32
      %multiple_of3A_36 = tpu.assume_multiple %add3A_35, 8 : i32
      %jit3A = arith.constant 16384 : i32
      %div3A = arith.divsi %multiple_of3A_36, %jit3A : i32
      %sign3A = arith.constant 0 : i32
      %sign3A_37 = arith.cmpi sgt, %multiple_of3A_36, %sign3A : i32
      %sign3A_38 = arith.extui %sign3A_37 : i1 to i32
      %sign3A_39 = arith.constant 0 : i32
      %sign3A_40 = arith.cmpi slt, %multiple_of3A_36, %sign3A_39 : i32
      %sign3A_41 = arith.extui %sign3A_40 : i1 to i32
      %sign3A_42 = arith.subi %sign3A_38, %sign3A_41 : i32
      %sign3A_43 = arith.constant 0 : i32
      %sign3A_44 = arith.cmpi sgt, %jit3A, %sign3A_43 : i32
      %sign3A_45 = arith.extui %sign3A_44 : i1 to i32
      %sign3A_46 = arith.constant 0 : i32
      %sign3A_47 = arith.cmpi slt, %jit3A, %sign3A_46 : i32
      %sign3A_48 = arith.extui %sign3A_47 : i1 to i32
      %sign3A_49 = arith.subi %sign3A_45, %sign3A_48 : i32
      %ne3A = arith.cmpi ne, %sign3A_42, %sign3A_49 : i32
      %rem3A = arith.remsi %multiple_of3A_36, %jit3A : i32
      %ne3A_50 = arith.constant 0 : i32
      %ne3A_51 = arith.cmpi ne, %rem3A, %ne3A_50 : i32
      %and3A = arith.andi %ne3A, %ne3A_51 : i1
      %sub3A = arith.constant 1 : i32
      %sub3A_52 = arith.subi %div3A, %sub3A : i32
      %select_n3A = arith.select %and3A, %sub3A_52, %div3A : i32
      "tpu.region"() ({
        %run_scoped3A = tpu.sem_alloc : memref<!tpu.dma_semaphore, #tpu.memory_space<semaphore_mem>>
        %dma_start3A = arith.constant 0 : i32
        %dma_start3A_100 = tpu.memref_slice %arg2[%select_n3A, %dma_start3A] : memref<512x16384xi32, #tpu.memory_space<hbm>> -> memref<1x16384xi32, #tpu.memory_space<hbm>>
        %dma_start3A_101 = tpu.memref_squeeze %dma_start3A_100 : memref<1x16384xi32, #tpu.memory_space<hbm>> -> memref<16384xi32, #tpu.memory_space<hbm>>
        %dma_start3A_102 = arith.constant 0 : i32
        %dma_start3A_103 = tpu.memref_slice %arg2[%select_n3A, %dma_start3A_102] : memref<512x16384xi32, #tpu.memory_space<hbm>> -> memref<1x16384xi32, #tpu.memory_space<hbm>>
        %dma_start3A_104 = tpu.memref_squeeze %dma_start3A_103 : memref<1x16384xi32, #tpu.memory_space<hbm>> -> memref<16384xi32, #tpu.memory_space<hbm>>
        tpu.enqueue_dma source(%dma_start3A_104 : memref<16384xi32, #tpu.memory_space<hbm>>) target(%arg6 : memref<16384xi32, #tpu.memory_space<vmem>>) target_semaphore(%run_scoped3A : memref<!tpu.dma_semaphore, #tpu.memory_space<semaphore_mem>>)
        %dma_wait3A = arith.constant 0 : i32
        %dma_wait3A_105 = tpu.memref_slice %arg2[%select_n3A, %dma_wait3A] : memref<512x16384xi32, #tpu.memory_space<hbm>> -> memref<1x16384xi32, #tpu.memory_space<hbm>>
        %dma_wait3A_106 = tpu.memref_squeeze %dma_wait3A_105 : memref<1x16384xi32, #tpu.memory_space<hbm>> -> memref<16384xi32, #tpu.memory_space<hbm>>
        %dma_wait3A_107 = arith.constant 0 : i32
        %dma_wait3A_108 = tpu.memref_slice %arg2[%select_n3A, %dma_wait3A_107] : memref<512x16384xi32, #tpu.memory_space<hbm>> -> memref<1x16384xi32, #tpu.memory_space<hbm>>
        %dma_wait3A_109 = tpu.memref_squeeze %dma_wait3A_108 : memref<1x16384xi32, #tpu.memory_space<hbm>> -> memref<16384xi32, #tpu.memory_space<hbm>>
        tpu.wait_dma2 semaphore(%run_scoped3A : memref<!tpu.dma_semaphore, #tpu.memory_space<semaphore_mem>>) src(%dma_wait3A_109 : memref<16384xi32, #tpu.memory_space<hbm>>) dst(%arg6 : memref<16384xi32, #tpu.memory_space<vmem>>)
        tpu.yield
      }) : () -> ()
      %while3A_53 = arith.constant 0 : i32
      %while3A_54 = arith.constant 0 : i32
      %while3A_55 = arith.constant 256 : i32
      %while3A_56 = arith.subi %while3A_55, %while3A_54 : i32
      %while3A_57 = arith.addi %while3A_54, %while3A_56 : i32
      %while3A_58 = arith.constant 1 : i32
      %while3A_59 = arith.divsi %while3A_56, %while3A_58 : i32
      %while3A_60 = arith.muli %while3A_59, %while3A_58 : i32
      %while3A_61 = arith.addi %while3A_54, %while3A_60 : i32
      %while3A_62 = arith.constant 1 : i32
      scf.for %while3A_100 = %while3A_54 to %while3A_61 step %while3A_62  : i32 {
        %mul3A_101 = arith.constant 64 : i32
        %mul3A_102 = arith.muli %while3A_100, %mul3A_101 : i32
        %add3A_103 = arith.constant 0 : i32
        %add3A_104 = arith.addi %mul3A_102, %add3A_103 : i32
        %add3A_105 = vector.broadcast %add3A_104 : i32 to vector<16xi32>
        %add3A_106 = arith.addi %mul3A_12, %add3A_105 : vector<16xi32>
        %gather3A = tpu.vector_load_idx %arg6[%add3A_106] : memref<16384xi32, #tpu.memory_space<vmem>>[vector<16xi32>], vector<16xi32>,
        %shift_right_logical3A = arith.shrui %gather3A, %broadcast_in_dim3A_13 : vector<16xi32>
        %shift_right_logical3A_107 = arith.shrui %shift_right_logical3A, %broadcast_in_dim3A_15 : vector<16xi32>
        %add3A_108 = arith.constant 0 : i32
        %add3A_109 = arith.addi %mul3A_102, %add3A_108 : i32
        %swap3A = arith.index_cast %add3A_109 : i32 to index
        %swap3A_110 = tpu.vector_load %arg7[%swap3A] {strides = array<i32>} : memref<16384xi32, #tpu.memory_space<vmem>>, vector<16xi32>,
        tpu.vector_store %arg7[%swap3A], %shift_right_logical3A_107 {strides = array<i32>} : memref<16384xi32, #tpu.memory_space<vmem>>, vector<16xi32>,
        %and3A_111 = arith.andi %shift_right_logical3A, %broadcast_in_dim3A_17 : vector<16xi32>
        %add3A_112 = arith.constant 0 : i32
        %add3A_113 = arith.addi %mul3A_102, %add3A_112 : i32
        %swap3A_114 = arith.index_cast %add3A_113 : i32 to index
        %swap3A_115 = tpu.vector_load %arg8[%swap3A_114] {strides = array<i32>} : memref<16384xi32, #tpu.memory_space<vmem>>, vector<16xi32>,
        tpu.vector_store %arg8[%swap3A_114], %and3A_111 {strides = array<i32>} : memref<16384xi32, #tpu.memory_space<vmem>>, vector<16xi32>,
        %add3A_116 = arith.constant 1 : i32
        %add3A_117 = arith.addi %mul3A_102, %add3A_116 : i32
        %add3A_118 = vector.broadcast %add3A_117 : i32 to vector<16xi32>
        %add3A_119 = arith.addi %mul3A_12, %add3A_118 : vector<16xi32>
        %gather3A_120 = tpu.vector_load_idx %arg6[%add3A_119] : memref<16384xi32, #tpu.memory_space<vmem>>[vector<16xi32>], vector<16xi32>,
        %shift_right_logical3A_121 = arith.shrui %gather3A_120, %broadcast_in_dim3A_13 : vector<16xi32>
        %shift_right_logical3A_122 = arith.shrui %shift_right_logical3A_121, %broadcast_in_dim3A_15 : vector<16xi32>
        %add3A_123 = arith.constant 16 : i32
        %add3A_124 = arith.addi %mul3A_102, %add3A_123 : i32
        %swap3A_125 = arith.index_cast %add3A_124 : i32 to index
        %swap3A_126 = tpu.vector_load %arg7[%swap3A_125] {strides = array<i32>} : memref<16384xi32, #tpu.memory_space<vmem>>, vector<16xi32>,
        tpu.vector_store %arg7[%swap3A_125], %shift_right_logical3A_122 {strides = array<i32>} : memref<16384xi32, #tpu.memory_space<vmem>>, vector<16xi32>,
        %and3A_127 = arith.andi %shift_right_logical3A_121, %broadcast_in_dim3A_17 : vector<16xi32>
        %add3A_128 = arith.constant 16 : i32
        %add3A_129 = arith.addi %mul3A_102, %add3A_128 : i32
        %swap3A_130 = arith.index_cast %add3A_129 : i32 to index
        %swap3A_131 = tpu.vector_load %arg8[%swap3A_130] {strides = array<i32>} : memref<16384xi32, #tpu.memory_space<vmem>>, vector<16xi32>,
        tpu.vector_store %arg8[%swap3A_130], %and3A_127 {strides = array<i32>} : memref<16384xi32, #tpu.memory_space<vmem>>, vector<16xi32>,
        %add3A_132 = arith.constant 2 : i32
        %add3A_133 = arith.addi %mul3A_102, %add3A_132 : i32
        %add3A_134 = vector.broadcast %add3A_133 : i32 to vector<16xi32>
        %add3A_135 = arith.addi %mul3A_12, %add3A_134 : vector<16xi32>
        %gather3A_136 = tpu.vector_load_idx %arg6[%add3A_135] : memref<16384xi32, #tpu.memory_space<vmem>>[vector<16xi32>], vector<16xi32>,
        %shift_right_logical3A_137 = arith.shrui %gather3A_136, %broadcast_in_dim3A_13 : vector<16xi32>
        %shift_right_logical3A_138 = arith.shrui %shift_right_logical3A_137, %broadcast_in_dim3A_15 : vector<16xi32>
        %add3A_139 = arith.constant 32 : i32
        %add3A_140 = arith.addi %mul3A_102, %add3A_139 : i32
        %swap3A_141 = arith.index_cast %add3A_140 : i32 to index
        %swap3A_142 = tpu.vector_load %arg7[%swap3A_141] {strides = array<i32>} : memref<16384xi32, #tpu.memory_space<vmem>>, vector<16xi32>,
        tpu.vector_store %arg7[%swap3A_141], %shift_right_logical3A_138 {strides = array<i32>} : memref<16384xi32, #tpu.memory_space<vmem>>, vector<16xi32>,
        %and3A_143 = arith.andi %shift_right_logical3A_137, %broadcast_in_dim3A_17 : vector<16xi32>
        %add3A_144 = arith.constant 32 : i32
        %add3A_145 = arith.addi %mul3A_102, %add3A_144 : i32
        %swap3A_146 = arith.index_cast %add3A_145 : i32 to index
        %swap3A_147 = tpu.vector_load %arg8[%swap3A_146] {strides = array<i32>} : memref<16384xi32, #tpu.memory_space<vmem>>, vector<16xi32>,
        tpu.vector_store %arg8[%swap3A_146], %and3A_143 {strides = array<i32>} : memref<16384xi32, #tpu.memory_space<vmem>>, vector<16xi32>,
        %add3A_148 = arith.constant 3 : i32
        %add3A_149 = arith.addi %mul3A_102, %add3A_148 : i32
        %add3A_150 = vector.broadcast %add3A_149 : i32 to vector<16xi32>
        %add3A_151 = arith.addi %mul3A_12, %add3A_150 : vector<16xi32>
        %gather3A_152 = tpu.vector_load_idx %arg6[%add3A_151] : memref<16384xi32, #tpu.memory_space<vmem>>[vector<16xi32>], vector<16xi32>,
        %shift_right_logical3A_153 = arith.shrui %gather3A_152, %broadcast_in_dim3A_13 : vector<16xi32>
        %shift_right_logical3A_154 = arith.shrui %shift_right_logical3A_153, %broadcast_in_dim3A_15 : vector<16xi32>
        %add3A_155 = arith.constant 48 : i32
        %add3A_156 = arith.addi %mul3A_102, %add3A_155 : i32
        %swap3A_157 = arith.index_cast %add3A_156 : i32 to index
        %swap3A_158 = tpu.vector_load %arg7[%swap3A_157] {strides = array<i32>} : memref<16384xi32, #tpu.memory_space<vmem>>, vector<16xi32>,
        tpu.vector_store %arg7[%swap3A_157], %shift_right_logical3A_154 {strides = array<i32>} : memref<16384xi32, #tpu.memory_space<vmem>>, vector<16xi32>,
        %and3A_159 = arith.andi %shift_right_logical3A_153, %broadcast_in_dim3A_17 : vector<16xi32>
        %add3A_160 = arith.constant 48 : i32
        %add3A_161 = arith.addi %mul3A_102, %add3A_160 : i32
        %swap3A_162 = arith.index_cast %add3A_161 : i32 to index
        %swap3A_163 = tpu.vector_load %arg8[%swap3A_162] {strides = array<i32>} : memref<16384xi32, #tpu.memory_space<vmem>>, vector<16xi32>,
        tpu.vector_store %arg8[%swap3A_162], %and3A_159 {strides = array<i32>} : memref<16384xi32, #tpu.memory_space<vmem>>, vector<16xi32>,
      }
      %while3A_63 = arith.constant 1 : i32
      scf.for %while3A_100 = %while3A_61 to %while3A_57 step %while3A_63  : i32 {
        %mul3A_101 = arith.constant 64 : i32
        %mul3A_102 = arith.muli %while3A_100, %mul3A_101 : i32
        %add3A_103 = arith.constant 0 : i32
        %add3A_104 = arith.addi %mul3A_102, %add3A_103 : i32
        %add3A_105 = vector.broadcast %add3A_104 : i32 to vector<16xi32>
        %add3A_106 = arith.addi %mul3A_12, %add3A_105 : vector<16xi32>
        %gather3A = tpu.vector_load_idx %arg6[%add3A_106] : memref<16384xi32, #tpu.memory_space<vmem>>[vector<16xi32>], vector<16xi32>,
        %shift_right_logical3A = arith.shrui %gather3A, %broadcast_in_dim3A_13 : vector<16xi32>
        %shift_right_logical3A_107 = arith.shrui %shift_right_logical3A, %broadcast_in_dim3A_15 : vector<16xi32>
        %add3A_108 = arith.constant 0 : i32
        %add3A_109 = arith.addi %mul3A_102, %add3A_108 : i32
        %swap3A = arith.index_cast %add3A_109 : i32 to index
        %swap3A_110 = tpu.vector_load %arg7[%swap3A] {strides = array<i32>} : memref<16384xi32, #tpu.memory_space<vmem>>, vector<16xi32>,
        tpu.vector_store %arg7[%swap3A], %shift_right_logical3A_107 {strides = array<i32>} : memref<16384xi32, #tpu.memory_space<vmem>>, vector<16xi32>,
        %and3A_111 = arith.andi %shift_right_logical3A, %broadcast_in_dim3A_17 : vector<16xi32>
        %add3A_112 = arith.constant 0 : i32
        %add3A_113 = arith.addi %mul3A_102, %add3A_112 : i32
        %swap3A_114 = arith.index_cast %add3A_113 : i32 to index
        %swap3A_115 = tpu.vector_load %arg8[%swap3A_114] {strides = array<i32>} : memref<16384xi32, #tpu.memory_space<vmem>>, vector<16xi32>,
        tpu.vector_store %arg8[%swap3A_114], %and3A_111 {strides = array<i32>} : memref<16384xi32, #tpu.memory_space<vmem>>, vector<16xi32>,
        %add3A_116 = arith.constant 1 : i32
        %add3A_117 = arith.addi %mul3A_102, %add3A_116 : i32
        %add3A_118 = vector.broadcast %add3A_117 : i32 to vector<16xi32>
        %add3A_119 = arith.addi %mul3A_12, %add3A_118 : vector<16xi32>
        %gather3A_120 = tpu.vector_load_idx %arg6[%add3A_119] : memref<16384xi32, #tpu.memory_space<vmem>>[vector<16xi32>], vector<16xi32>,
        %shift_right_logical3A_121 = arith.shrui %gather3A_120, %broadcast_in_dim3A_13 : vector<16xi32>
        %shift_right_logical3A_122 = arith.shrui %shift_right_logical3A_121, %broadcast_in_dim3A_15 : vector<16xi32>
        %add3A_123 = arith.constant 16 : i32
        %add3A_124 = arith.addi %mul3A_102, %add3A_123 : i32
        %swap3A_125 = arith.index_cast %add3A_124 : i32 to index
        %swap3A_126 = tpu.vector_load %arg7[%swap3A_125] {strides = array<i32>} : memref<16384xi32, #tpu.memory_space<vmem>>, vector<16xi32>,
        tpu.vector_store %arg7[%swap3A_125], %shift_right_logical3A_122 {strides = array<i32>} : memref<16384xi32, #tpu.memory_space<vmem>>, vector<16xi32>,
        %and3A_127 = arith.andi %shift_right_logical3A_121, %broadcast_in_dim3A_17 : vector<16xi32>
        %add3A_128 = arith.constant 16 : i32
        %add3A_129 = arith.addi %mul3A_102, %add3A_128 : i32
        %swap3A_130 = arith.index_cast %add3A_129 : i32 to index
        %swap3A_131 = tpu.vector_load %arg8[%swap3A_130] {strides = array<i32>} : memref<16384xi32, #tpu.memory_space<vmem>>, vector<16xi32>,
        tpu.vector_store %arg8[%swap3A_130], %and3A_127 {strides = array<i32>} : memref<16384xi32, #tpu.memory_space<vmem>>, vector<16xi32>,
        %add3A_132 = arith.constant 2 : i32
        %add3A_133 = arith.addi %mul3A_102, %add3A_132 : i32
        %add3A_134 = vector.broadcast %add3A_133 : i32 to vector<16xi32>
        %add3A_135 = arith.addi %mul3A_12, %add3A_134 : vector<16xi32>
        %gather3A_136 = tpu.vector_load_idx %arg6[%add3A_135] : memref<16384xi32, #tpu.memory_space<vmem>>[vector<16xi32>], vector<16xi32>,
        %shift_right_logical3A_137 = arith.shrui %gather3A_136, %broadcast_in_dim3A_13 : vector<16xi32>
        %shift_right_logical3A_138 = arith.shrui %shift_right_logical3A_137, %broadcast_in_dim3A_15 : vector<16xi32>
        %add3A_139 = arith.constant 32 : i32
        %add3A_140 = arith.addi %mul3A_102, %add3A_139 : i32
        %swap3A_141 = arith.index_cast %add3A_140 : i32 to index
        %swap3A_142 = tpu.vector_load %arg7[%swap3A_141] {strides = array<i32>} : memref<16384xi32, #tpu.memory_space<vmem>>, vector<16xi32>,
        tpu.vector_store %arg7[%swap3A_141], %shift_right_logical3A_138 {strides = array<i32>} : memref<16384xi32, #tpu.memory_space<vmem>>, vector<16xi32>,
        %and3A_143 = arith.andi %shift_right_logical3A_137, %broadcast_in_dim3A_17 : vector<16xi32>
        %add3A_144 = arith.constant 32 : i32
        %add3A_145 = arith.addi %mul3A_102, %add3A_144 : i32
        %swap3A_146 = arith.index_cast %add3A_145 : i32 to index
        %swap3A_147 = tpu.vector_load %arg8[%swap3A_146] {strides = array<i32>} : memref<16384xi32, #tpu.memory_space<vmem>>, vector<16xi32>,
        tpu.vector_store %arg8[%swap3A_146], %and3A_143 {strides = array<i32>} : memref<16384xi32, #tpu.memory_space<vmem>>, vector<16xi32>,
        %add3A_148 = arith.constant 3 : i32
        %add3A_149 = arith.addi %mul3A_102, %add3A_148 : i32
        %add3A_150 = vector.broadcast %add3A_149 : i32 to vector<16xi32>
        %add3A_151 = arith.addi %mul3A_12, %add3A_150 : vector<16xi32>
        %gather3A_152 = tpu.vector_load_idx %arg6[%add3A_151] : memref<16384xi32, #tpu.memory_space<vmem>>[vector<16xi32>], vector<16xi32>,
        %shift_right_logical3A_153 = arith.shrui %gather3A_152, %broadcast_in_dim3A_13 : vector<16xi32>
        %shift_right_logical3A_154 = arith.shrui %shift_right_logical3A_153, %broadcast_in_dim3A_15 : vector<16xi32>
        %add3A_155 = arith.constant 48 : i32
        %add3A_156 = arith.addi %mul3A_102, %add3A_155 : i32
        %swap3A_157 = arith.index_cast %add3A_156 : i32 to index
        %swap3A_158 = tpu.vector_load %arg7[%swap3A_157] {strides = array<i32>} : memref<16384xi32, #tpu.memory_space<vmem>>, vector<16xi32>,
        tpu.vector_store %arg7[%swap3A_157], %shift_right_logical3A_154 {strides = array<i32>} : memref<16384xi32, #tpu.memory_space<vmem>>, vector<16xi32>,
        %and3A_159 = arith.andi %shift_right_logical3A_153, %broadcast_in_dim3A_17 : vector<16xi32>
        %add3A_160 = arith.constant 48 : i32
        %add3A_161 = arith.addi %mul3A_102, %add3A_160 : i32
        %swap3A_162 = arith.index_cast %add3A_161 : i32 to index
        %swap3A_163 = tpu.vector_load %arg8[%swap3A_162] {strides = array<i32>} : memref<16384xi32, #tpu.memory_space<vmem>>, vector<16xi32>,
        tpu.vector_store %arg8[%swap3A_162], %and3A_159 {strides = array<i32>} : memref<16384xi32, #tpu.memory_space<vmem>>, vector<16xi32>,
      }
      "tpu.region"() ({
        %run_scoped3A = tpu.sem_alloc : memref<!tpu.dma_semaphore, #tpu.memory_space<semaphore_mem>>
        %dma_start3A = arith.constant 0 : i32
        %dma_start3A_100 = tpu.memref_slice %arg5[%dma_start3A] : memref<524288xi32, #tpu.memory_space<vmem_shared>> -> memref<524288xi32, #tpu.memory_space<vmem_shared>>
        tpu.enqueue_indirect_dma source(%dma_start3A_100 : memref<524288xi32, #tpu.memory_space<vmem_shared>>) target(%arg9 : memref<16384xi32, #tpu.memory_space<vmem>>) offsets(%arg7 : memref<16384xi32, #tpu.memory_space<vmem>>) semaphore(%run_scoped3A : memref<!tpu.dma_semaphore, #tpu.memory_space<semaphore_mem>>)
        %dma_wait3A = arith.constant 0 : i32
        %dma_wait3A_101 = tpu.memref_slice %arg5[%dma_wait3A] : memref<524288xi32, #tpu.memory_space<vmem_shared>> -> memref<524288xi32, #tpu.memory_space<vmem_shared>>
        tpu.wait_indirect_dma semaphore(%run_scoped3A : memref<!tpu.dma_semaphore, #tpu.memory_space<semaphore_mem>>) src(%dma_wait3A_101 : memref<524288xi32, #tpu.memory_space<vmem_shared>>) dst(%arg9 : memref<16384xi32, #tpu.memory_space<vmem>>)
        tpu.yield
      }) : () -> ()
      %while3A_64 = arith.constant 0 : i32
      %while3A_65 = arith.constant 0 : i32
      %while3A_66 = arith.constant 256 : i32
      %while3A_67 = arith.subi %while3A_66, %while3A_65 : i32
      %while3A_68 = arith.addi %while3A_65, %while3A_67 : i32
      %while3A_69 = arith.constant 1 : i32
      %while3A_70 = arith.divsi %while3A_67, %while3A_69 : i32
      %while3A_71 = arith.muli %while3A_70, %while3A_69 : i32
      %while3A_72 = arith.addi %while3A_65, %while3A_71 : i32
      %while3A_73 = arith.constant 1 : i32
      scf.for %while3A_100 = %while3A_65 to %while3A_72 step %while3A_73  : i32 {
        %mul3A_101 = arith.constant 64 : i32
        %mul3A_102 = arith.muli %while3A_100, %mul3A_101 : i32
        %broadcast_in_dim3A_103 = arith.constant 0 : i32
        %broadcast_in_dim3A_104 = vector.broadcast %broadcast_in_dim3A_103 : i32 to vector<16xi32>
        %add3A_105 = arith.constant 0 : i32
        %add3A_106 = arith.addi %mul3A_102, %add3A_105 : i32
        %get3A = arith.index_cast %add3A_106 : i32 to index
        %get3A_107 = tpu.vector_load %arg9[%get3A] {strides = array<i32>} : memref<16384xi32, #tpu.memory_space<vmem>>, vector<16xi32>,
        %add3A_108 = arith.constant 0 : i32
        %add3A_109 = arith.addi %mul3A_102, %add3A_108 : i32
        %get3A_110 = arith.index_cast %add3A_109 : i32 to index
        %get3A_111 = tpu.vector_load %arg8[%get3A_110] {strides = array<i32>} : memref<16384xi32, #tpu.memory_space<vmem>>, vector<16xi32>,
        %shift_right_logical3A = arith.shrui %get3A_107, %get3A_111 : vector<16xi32>
        %and3A_112 = arith.andi %shift_right_logical3A, %broadcast_in_dim3A_19 : vector<16xi32>
        %or3A = arith.ori %broadcast_in_dim3A_104, %and3A_112 : vector<16xi32>
        %add3A_113 = arith.constant 16 : i32
        %add3A_114 = arith.addi %mul3A_102, %add3A_113 : i32
        %get3A_115 = arith.index_cast %add3A_114 : i32 to index
        %get3A_116 = tpu.vector_load %arg9[%get3A_115] {strides = array<i32>} : memref<16384xi32, #tpu.memory_space<vmem>>, vector<16xi32>,
        %add3A_117 = arith.constant 16 : i32
        %add3A_118 = arith.addi %mul3A_102, %add3A_117 : i32
        %get3A_119 = arith.index_cast %add3A_118 : i32 to index
        %get3A_120 = tpu.vector_load %arg8[%get3A_119] {strides = array<i32>} : memref<16384xi32, #tpu.memory_space<vmem>>, vector<16xi32>,
        %shift_right_logical3A_121 = arith.shrui %get3A_116, %get3A_120 : vector<16xi32>
        %and3A_122 = arith.andi %shift_right_logical3A_121, %broadcast_in_dim3A_19 : vector<16xi32>
        %broadcast_in_dim3A_123 = arith.constant 8 : i32
        %broadcast_in_dim3A_124 = vector.broadcast %broadcast_in_dim3A_123 : i32 to vector<16xi32>
        %shift_left3A = arith.shli %and3A_122, %broadcast_in_dim3A_124 : vector<16xi32>
        %or3A_125 = arith.ori %or3A, %shift_left3A : vector<16xi32>
        %add3A_126 = arith.constant 32 : i32
        %add3A_127 = arith.addi %mul3A_102, %add3A_126 : i32
        %get3A_128 = arith.index_cast %add3A_127 : i32 to index
        %get3A_129 = tpu.vector_load %arg9[%get3A_128] {strides = array<i32>} : memref<16384xi32, #tpu.memory_space<vmem>>, vector<16xi32>,
        %add3A_130 = arith.constant 32 : i32
        %add3A_131 = arith.addi %mul3A_102, %add3A_130 : i32
        %get3A_132 = arith.index_cast %add3A_131 : i32 to index
        %get3A_133 = tpu.vector_load %arg8[%get3A_132] {strides = array<i32>} : memref<16384xi32, #tpu.memory_space<vmem>>, vector<16xi32>,
        %shift_right_logical3A_134 = arith.shrui %get3A_129, %get3A_133 : vector<16xi32>
        %and3A_135 = arith.andi %shift_right_logical3A_134, %broadcast_in_dim3A_19 : vector<16xi32>
        %broadcast_in_dim3A_136 = arith.constant 16 : i32
        %broadcast_in_dim3A_137 = vector.broadcast %broadcast_in_dim3A_136 : i32 to vector<16xi32>
        %shift_left3A_138 = arith.shli %and3A_135, %broadcast_in_dim3A_137 : vector<16xi32>
        %or3A_139 = arith.ori %or3A_125, %shift_left3A_138 : vector<16xi32>
        %add3A_140 = arith.constant 48 : i32
        %add3A_141 = arith.addi %mul3A_102, %add3A_140 : i32
        %get3A_142 = arith.index_cast %add3A_141 : i32 to index
        %get3A_143 = tpu.vector_load %arg9[%get3A_142] {strides = array<i32>} : memref<16384xi32, #tpu.memory_space<vmem>>, vector<16xi32>,
        %add3A_144 = arith.constant 48 : i32
        %add3A_145 = arith.addi %mul3A_102, %add3A_144 : i32
        %get3A_146 = arith.index_cast %add3A_145 : i32 to index
        %get3A_147 = tpu.vector_load %arg8[%get3A_146] {strides = array<i32>} : memref<16384xi32, #tpu.memory_space<vmem>>, vector<16xi32>,
        %shift_right_logical3A_148 = arith.shrui %get3A_143, %get3A_147 : vector<16xi32>
        %and3A_149 = arith.andi %shift_right_logical3A_148, %broadcast_in_dim3A_19 : vector<16xi32>
        %broadcast_in_dim3A_150 = arith.constant 24 : i32
        %broadcast_in_dim3A_151 = vector.broadcast %broadcast_in_dim3A_150 : i32 to vector<16xi32>
        %shift_left3A_152 = arith.shli %and3A_149, %broadcast_in_dim3A_151 : vector<16xi32>
        %or3A_153 = arith.ori %or3A_139, %shift_left3A_152 : vector<16xi32>
        %shift_right_arithmetic3A = arith.constant 3 : i32
        %shift_right_arithmetic3A_154 = arith.shrsi %while3A_100, %shift_right_arithmetic3A : i32
        %and3A_155 = arith.constant 7 : i32
        %and3A_156 = arith.andi %while3A_100, %and3A_155 : i32
        %mul3A_157 = arith.constant 16 : i32
        %mul3A_158 = arith.muli %and3A_156, %mul3A_157 : i32
        %swap3A = arith.index_cast %shift_right_arithmetic3A_154 : i32 to index
        %swap3A_159 = arith.index_cast %mul3A_158 : i32 to index
        %swap3A_160 = tpu.vector_load %arg10[%swap3A, %swap3A_159] {strides = array<i32>} : memref<32x128xi32, #tpu.memory_space<vmem>>, vector<16xi32>,
        tpu.vector_store %arg10[%swap3A, %swap3A_159], %or3A_153 {strides = array<i32>} : memref<32x128xi32, #tpu.memory_space<vmem>>, vector<16xi32>,
      }
      %while3A_74 = arith.constant 1 : i32
      scf.for %while3A_100 = %while3A_72 to %while3A_68 step %while3A_74  : i32 {
        %mul3A_101 = arith.constant 64 : i32
        %mul3A_102 = arith.muli %while3A_100, %mul3A_101 : i32
        %broadcast_in_dim3A_103 = arith.constant 0 : i32
        %broadcast_in_dim3A_104 = vector.broadcast %broadcast_in_dim3A_103 : i32 to vector<16xi32>
        %add3A_105 = arith.constant 0 : i32
        %add3A_106 = arith.addi %mul3A_102, %add3A_105 : i32
        %get3A = arith.index_cast %add3A_106 : i32 to index
        %get3A_107 = tpu.vector_load %arg9[%get3A] {strides = array<i32>} : memref<16384xi32, #tpu.memory_space<vmem>>, vector<16xi32>,
        %add3A_108 = arith.constant 0 : i32
        %add3A_109 = arith.addi %mul3A_102, %add3A_108 : i32
        %get3A_110 = arith.index_cast %add3A_109 : i32 to index
        %get3A_111 = tpu.vector_load %arg8[%get3A_110] {strides = array<i32>} : memref<16384xi32, #tpu.memory_space<vmem>>, vector<16xi32>,
        %shift_right_logical3A = arith.shrui %get3A_107, %get3A_111 : vector<16xi32>
        %and3A_112 = arith.andi %shift_right_logical3A, %broadcast_in_dim3A_19 : vector<16xi32>
        %or3A = arith.ori %broadcast_in_dim3A_104, %and3A_112 : vector<16xi32>
        %add3A_113 = arith.constant 16 : i32
        %add3A_114 = arith.addi %mul3A_102, %add3A_113 : i32
        %get3A_115 = arith.index_cast %add3A_114 : i32 to index
        %get3A_116 = tpu.vector_load %arg9[%get3A_115] {strides = array<i32>} : memref<16384xi32, #tpu.memory_space<vmem>>, vector<16xi32>,
        %add3A_117 = arith.constant 16 : i32
        %add3A_118 = arith.addi %mul3A_102, %add3A_117 : i32
        %get3A_119 = arith.index_cast %add3A_118 : i32 to index
        %get3A_120 = tpu.vector_load %arg8[%get3A_119] {strides = array<i32>} : memref<16384xi32, #tpu.memory_space<vmem>>, vector<16xi32>,
        %shift_right_logical3A_121 = arith.shrui %get3A_116, %get3A_120 : vector<16xi32>
        %and3A_122 = arith.andi %shift_right_logical3A_121, %broadcast_in_dim3A_19 : vector<16xi32>
        %broadcast_in_dim3A_123 = arith.constant 8 : i32
        %broadcast_in_dim3A_124 = vector.broadcast %broadcast_in_dim3A_123 : i32 to vector<16xi32>
        %shift_left3A = arith.shli %and3A_122, %broadcast_in_dim3A_124 : vector<16xi32>
        %or3A_125 = arith.ori %or3A, %shift_left3A : vector<16xi32>
        %add3A_126 = arith.constant 32 : i32
        %add3A_127 = arith.addi %mul3A_102, %add3A_126 : i32
        %get3A_128 = arith.index_cast %add3A_127 : i32 to index
        %get3A_129 = tpu.vector_load %arg9[%get3A_128] {strides = array<i32>} : memref<16384xi32, #tpu.memory_space<vmem>>, vector<16xi32>,
        %add3A_130 = arith.constant 32 : i32
        %add3A_131 = arith.addi %mul3A_102, %add3A_130 : i32
        %get3A_132 = arith.index_cast %add3A_131 : i32 to index
        %get3A_133 = tpu.vector_load %arg8[%get3A_132] {strides = array<i32>} : memref<16384xi32, #tpu.memory_space<vmem>>, vector<16xi32>,
        %shift_right_logical3A_134 = arith.shrui %get3A_129, %get3A_133 : vector<16xi32>
        %and3A_135 = arith.andi %shift_right_logical3A_134, %broadcast_in_dim3A_19 : vector<16xi32>
        %broadcast_in_dim3A_136 = arith.constant 16 : i32
        %broadcast_in_dim3A_137 = vector.broadcast %broadcast_in_dim3A_136 : i32 to vector<16xi32>
        %shift_left3A_138 = arith.shli %and3A_135, %broadcast_in_dim3A_137 : vector<16xi32>
        %or3A_139 = arith.ori %or3A_125, %shift_left3A_138 : vector<16xi32>
        %add3A_140 = arith.constant 48 : i32
        %add3A_141 = arith.addi %mul3A_102, %add3A_140 : i32
        %get3A_142 = arith.index_cast %add3A_141 : i32 to index
        %get3A_143 = tpu.vector_load %arg9[%get3A_142] {strides = array<i32>} : memref<16384xi32, #tpu.memory_space<vmem>>, vector<16xi32>,
        %add3A_144 = arith.constant 48 : i32
        %add3A_145 = arith.addi %mul3A_102, %add3A_144 : i32
        %get3A_146 = arith.index_cast %add3A_145 : i32 to index
        %get3A_147 = tpu.vector_load %arg8[%get3A_146] {strides = array<i32>} : memref<16384xi32, #tpu.memory_space<vmem>>, vector<16xi32>,
        %shift_right_logical3A_148 = arith.shrui %get3A_143, %get3A_147 : vector<16xi32>
        %and3A_149 = arith.andi %shift_right_logical3A_148, %broadcast_in_dim3A_19 : vector<16xi32>
        %broadcast_in_dim3A_150 = arith.constant 24 : i32
        %broadcast_in_dim3A_151 = vector.broadcast %broadcast_in_dim3A_150 : i32 to vector<16xi32>
        %shift_left3A_152 = arith.shli %and3A_149, %broadcast_in_dim3A_151 : vector<16xi32>
        %or3A_153 = arith.ori %or3A_139, %shift_left3A_152 : vector<16xi32>
        %shift_right_arithmetic3A = arith.constant 3 : i32
        %shift_right_arithmetic3A_154 = arith.shrsi %while3A_100, %shift_right_arithmetic3A : i32
        %and3A_155 = arith.constant 7 : i32
        %and3A_156 = arith.andi %while3A_100, %and3A_155 : i32
        %mul3A_157 = arith.constant 16 : i32
        %mul3A_158 = arith.muli %and3A_156, %mul3A_157 : i32
        %swap3A = arith.index_cast %shift_right_arithmetic3A_154 : i32 to index
        %swap3A_159 = arith.index_cast %mul3A_158 : i32 to index
        %swap3A_160 = tpu.vector_load %arg10[%swap3A, %swap3A_159] {strides = array<i32>} : memref<32x128xi32, #tpu.memory_space<vmem>>, vector<16xi32>,
        tpu.vector_store %arg10[%swap3A, %swap3A_159], %or3A_153 {strides = array<i32>} : memref<32x128xi32, #tpu.memory_space<vmem>>, vector<16xi32>,
      }
      %jit3A_75 = arith.constant 512 : i32
      %div3A_76 = arith.divsi %multiple_of3A_36, %jit3A_75 : i32
      %sign3A_77 = arith.constant 0 : i32
      %sign3A_78 = arith.cmpi sgt, %multiple_of3A_36, %sign3A_77 : i32
      %sign3A_79 = arith.extui %sign3A_78 : i1 to i32
      %sign3A_80 = arith.constant 0 : i32
      %sign3A_81 = arith.cmpi slt, %multiple_of3A_36, %sign3A_80 : i32
      %sign3A_82 = arith.extui %sign3A_81 : i1 to i32
      %sign3A_83 = arith.subi %sign3A_79, %sign3A_82 : i32
      %sign3A_84 = arith.constant 0 : i32
      %sign3A_85 = arith.cmpi sgt, %jit3A_75, %sign3A_84 : i32
      %sign3A_86 = arith.extui %sign3A_85 : i1 to i32
      %sign3A_87 = arith.constant 0 : i32
      %sign3A_88 = arith.cmpi slt, %jit3A_75, %sign3A_87 : i32
      %sign3A_89 = arith.extui %sign3A_88 : i1 to i32
      %sign3A_90 = arith.subi %sign3A_86, %sign3A_89 : i32
      %ne3A_91 = arith.cmpi ne, %sign3A_83, %sign3A_90 : i32
      %rem3A_92 = arith.remsi %multiple_of3A_36, %jit3A_75 : i32
      %ne3A_93 = arith.constant 0 : i32
      %ne3A_94 = arith.cmpi ne, %rem3A_92, %ne3A_93 : i32
      %and3A_95 = arith.andi %ne3A_91, %ne3A_94 : i1
      %sub3A_96 = arith.constant 1 : i32
      %sub3A_97 = arith.subi %div3A_76, %sub3A_96 : i32
      %select_n3A_98 = arith.select %and3A_95, %sub3A_97, %div3A_76 : i32
      %multiple_of3A_99 = tpu.assume_multiple %select_n3A_98, 8 : i32
      "tpu.region"() ({
        %run_scoped3A = tpu.sem_alloc : memref<!tpu.dma_semaphore, #tpu.memory_space<semaphore_mem>>
        %dma_start3A = arith.constant 0 : i32
        %dma_start3A_100 = tpu.memref_slice %arg4[%multiple_of3A_99, %dma_start3A] : memref<16384x128xi32, #tpu.memory_space<hbm>> -> memref<32x128xi32, #tpu.memory_space<hbm>>
        %dma_start3A_101 = arith.constant 0 : i32
        %dma_start3A_102 = tpu.memref_slice %arg4[%multiple_of3A_99, %dma_start3A_101] : memref<16384x128xi32, #tpu.memory_space<hbm>> -> memref<32x128xi32, #tpu.memory_space<hbm>>
        tpu.enqueue_dma source(%arg10 : memref<32x128xi32, #tpu.memory_space<vmem>>) target(%dma_start3A_102 : memref<32x128xi32, #tpu.memory_space<hbm>>) target_semaphore(%run_scoped3A : memref<!tpu.dma_semaphore, #tpu.memory_space<semaphore_mem>>)
        %dma_wait3A = arith.constant 0 : i32
        %dma_wait3A_103 = tpu.memref_slice %arg4[%multiple_of3A_99, %dma_wait3A] : memref<16384x128xi32, #tpu.memory_space<hbm>> -> memref<32x128xi32, #tpu.memory_space<hbm>>
        %dma_wait3A_104 = arith.constant 0 : i32
        %dma_wait3A_105 = tpu.memref_slice %arg4[%multiple_of3A_99, %dma_wait3A_104] : memref<16384x128xi32, #tpu.memory_space<hbm>> -> memref<32x128xi32, #tpu.memory_space<hbm>>
        tpu.wait_dma2 semaphore(%run_scoped3A : memref<!tpu.dma_semaphore, #tpu.memory_space<semaphore_mem>>) src(%arg10 : memref<32x128xi32, #tpu.memory_space<vmem>>) dst(%dma_wait3A_105 : memref<32x128xi32, #tpu.memory_space<hbm>>)
        tpu.yield
      }) : () -> ()
    }
    return
  }
}

</mosaic_0001>

<sc_bundles>
// kernel: kernel.3.cloned.1.call-start
scs
__scs_entry_jumppad:
0x0: {  	(pc) =	sbr.rel $0x88, $3  }
0x1: {  	(tag) =	ssettag $0x0;
	lr =	simm.s32 $0x1  }
0x2: {  	[smem:$0x3F9F] =	sst lr;
	_ =	strace $0xD0000000  }
0x3: {  	_ = 	snop  }
0x4: {  	_ = 	snop  }
0x5: {  	_ = 	snop  }
0x6: {  	_ = 	snop  }
0x7: {  	_ = 	snop  }
__scs_overlays_trampoline_lowered:
0x8: {  	[smem:$0x3FAE] =	sst s0  }
0x9: {  	[smem:$0x3FAF] =	sst s1  }
0xa: {  	[smem:$0x3FB0] =	sst s2  }
0xb: {  	[smem:$0x3FB1] =	sst s3  }
0xc: {  	[smem:$0x3FB2] =	sst s4  }
0xd: {  	[smem:$0x3FB3] =	sst s5  }
0xe: {  	[smem:$0x3FB4] =	sst s6  }
0xf: {  	[smem:$0x3FB5] =	sst s7  }
0x10: {  	[smem:$0x3FB6] =	sst s8  }
0x11: {  	[smem:$0x3FB7] =	sst s9;
	s0 =	simm.s32 @!p0 $0x0  }
0x12: {  	s1 =	sld [smem:$0x3F9D];
	s0 =	simm.s32 @p0 $0x1  }
0x13: {  	[smem:$0x3FB8] =	sst s0;
	s0 =	simm.s32 @!p1 $0x0  }
0x14: {  	s2 =	sld [smem:$0x3F9C];
	s0 =	simm.s32 @p1 $0x1  }
0x15: {  	[smem:$0x3FB9] =	sst s0;
	s0 =	simm.s32 @!p2 $0x0  }
0x16: {  	s3 =	sld [smem:$0x3FDB];
	s0 =	simm.s32 @p2 $0x1  }
0x17: {  	s4 =	simm.s32 $0x1BF5;
	[smem:$0x3FBB] =	sst s0  }
0x18: {  	s0 =	sld [smem:$0x3F9E];
	_ =	swait.ge [sflag:s4], $0x0  }
0x19: {  	s7 =	sld [smem:$0x3F9F]  }
0x1a: {  	s8 =	sadd.s32 $0xFFFFE003, lr  }
0x1b: {  	s9 =	sadd.s32 $0xFFFFFEF7, lr;
	s5 =	simm.s32 $0xFFFFFFFF;
	p2 =	slt.u32 s8, $0xFFFFF086  }
0x1c: {  	p1 =	slt.u32 s9, $0xF7A;
	s5 =	simm.s32 @!p2 $0x0  }
0x1d: {  	s5 =	simm.s32 @p1 $0x1;
	p0 =	seq.s32 s7, s2  }
0x1e: {  	s7 =	smul.u32 @!p0 $0xF7A, s2;
	p2 =	seq.s32 @!p0 s5, $0x0  }
0x1f: {  	s9 =	smul.u32 $0xF7A, s1;
	s8 =	simm.s32 @!p0 $0x1BF5;
	p2 =	por !p2, p0  }
0x20: {  	[sflag:s8] =	ssyncset.s32 @!p0 $0xFFFFF086;
	s6 =	sadd.s32 @!p0 s3, s7;
	s7 =	simm.s32 @!p0 $0x108  }
0x21: {  	s3 =	sadd.s32 s3, s9;
	s6 =	sadd.s32 @!p0 $0x88, s6;
	s7 =	simm.s32 @p2 $0x1082  }
0x22: {  	[simem:s7], [sflag:s8] =	dma.local @!p0 [hbm:s6], $0xF7A  }
0x23: {  	s9 =	sor.u32 $0xD0000000, s2;
	s6 =	simm.s32 $0x108;
	_ =	swait.ge @!p0 [sflag:s8], $0x0  }
0x24: {  	s3 =	sadd.s32 $0x88, s3;
	s6 =	simm.s32 @!p1 $0x1082;
	[sflag:s4] =	ssyncset.s32 $0xFFFFF086  }
0x25: {  	[simem:s6], [sflag:s4] =	dma.local [hbm:s3], $0xF7A  }
0x26: {  	[smem:$0x3F9F] =	sst s1;
	(tag) =	ssettag s2;
	_ =	strace s9  }
0x27: {  	s1 =	sld [smem:$0x3FAF]  }
0x28: {  	s2 =	sld [smem:$0x3FB0]  }
0x29: {  	s4 =	sld [smem:$0x3FB2]  }
0x2a: {  	p0 =	seq.s32 s5, $0x0;
	s5 =	sld [smem:$0x3FB3]  }
0x2b: {  	s6 =	sld [smem:$0x3FB4]  }
0x2c: {  	s7 =	sld [smem:$0x3FB5]  }
0x2d: {  	s3 =	simm.s32 $0x108;
	s8 =	sld [smem:$0x3FB6]  }
0x2e: {  	s3 =	simm.s32 @!p0 $0x1082;
	s9 =	sld [smem:$0x3FB7]  }
0x2f: {  	lr =	sadd.s32 s0, s3;
	s0 =	sld [smem:$0x3FAE]  }
0x30: {  	s3 =	sld [smem:$0x3FB1]  }
0x31: {  	[smem:$0x3FBA] =	sst s10  }
0x32: {  	s10 =	sld [smem:$0x3FB8];
	_ =	sdelay $0x3  }
0x33: {  	p0 =	seq.s32 s10, $0x1;
	s10 =	sld [smem:$0x3FBA];
	_ =	sdelay $0x3  }
0x34: {  	[smem:$0x3FBA] =	sst s10  }
0x35: {  	s10 =	sld [smem:$0x3FB9];
	_ =	sdelay $0x3  }
0x36: {  	p1 =	seq.s32 s10, $0x1;
	s10 =	sld [smem:$0x3FBA];
	_ =	sdelay $0x3  }
0x37: {  	[smem:$0x3FBA] =	sst s10  }
0x38: {  	s10 =	sld [smem:$0x3FBB]  }
0x39: {  	_ = 	snop;
	(pc) =	sbr.ind lr, $3  }
0x3a: {  	_ = 	snop  }
0x3b: {  	_ = 	snop  }
0x3c: {  	p2 =	seq.s32 s10, $0x1;
	s10 =	sld [smem:$0x3FBA]  }
0x3d: {  	_ =	shalt  }
0x3e: {  	_ =	shalt  }
0x3f: {  	_ =	shalt  }
0x40: {  	_ =	shalt  }
0x41: {  	_ =	shalt  }
0x42: {  	_ =	shalt  }
0x43: {  	_ =	shalt  }
0x44: {  	_ =	shalt  }
0x45: {  	_ =	shalt  }
0x46: {  	_ =	shalt  }
0x47: {  	_ =	shalt  }
0x48: {  	_ =	shalt  }
0x49: {  	_ =	shalt  }
0x4a: {  	_ =	shalt  }
0x4b: {  	_ =	shalt  }
0x4c: {  	_ =	shalt  }
0x4d: {  	_ =	shalt  }
0x4e: {  	_ =	shalt  }
0x4f: {  	_ =	shalt  }
0x50: {  	_ =	shalt  }
0x51: {  	_ =	shalt  }
0x52: {  	_ =	shalt  }
0x53: {  	_ =	shalt  }
0x54: {  	_ =	shalt  }
0x55: {  	_ =	shalt  }
0x56: {  	_ =	shalt  }
0x57: {  	_ =	shalt  }
0x58: {  	_ =	shalt  }
0x59: {  	_ =	shalt  }
0x5a: {  	_ =	shalt  }
0x5b: {  	_ =	shalt  }
0x5c: {  	_ =	shalt  }
0x5d: {  	_ =	shalt  }
0x5e: {  	_ =	shalt  }
0x5f: {  	_ =	shalt  }
0x60: {  	_ =	shalt  }
0x61: {  	_ =	shalt  }
0x62: {  	_ =	shalt  }
0x63: {  	_ =	shalt  }
0x64: {  	_ =	shalt  }
0x65: {  	_ =	shalt  }
0x66: {  	_ =	shalt  }
0x67: {  	_ =	shalt  }
0x68: {  	_ =	shalt  }
0x69: {  	_ =	shalt  }
0x6a: {  	_ =	shalt  }
0x6b: {  	_ =	shalt  }
0x6c: {  	_ =	shalt  }
0x6d: {  	_ =	shalt  }
0x6e: {  	_ =	shalt  }
0x6f: {  	_ =	shalt  }
0x70: {  	_ =	shalt  }
0x71: {  	_ =	shalt  }
0x72: {  	_ =	shalt  }
0x73: {  	_ =	shalt  }
0x74: {  	_ =	shalt  }
0x75: {  	_ =	shalt  }
0x76: {  	_ =	shalt  }
0x77: {  	_ =	shalt  }
0x78: {  	_ =	shalt  }
0x79: {  	_ =	shalt  }
0x7a: {  	_ =	shalt  }
0x7b: {  	_ =	shalt  }
0x7c: {  	_ =	shalt  }
0x7d: {  	_ =	shalt  }
0x7e: {  	_ =	shalt  }
0x7f: {  	_ =	shalt  }
0x80: {  	_ =	shalt  }
0x81: {  	_ =	shalt  }
0x82: {  	_ =	shalt  }
0x83: {  	_ =	shalt  }
0x84: {  	_ =	shalt  }
0x85: {  	_ =	shalt  }
0x86: {  	_ =	shalt  }
0x87: {  	_ =	shalt  }
.Lfunc_end0:
.L_simem_size_0:
called_computation_lowered:
.L_overlay_start_0:
0x88: {  	s2 =	sld [smem:$0x3FD9]  }
0x89: {  	s3 =	sld [smem:$0x3FFE];
	_ =	sdelay $0x1  }
0x8a: {  	s1 =	srdreg.scid  }
0x8b: {  	s0 =	sand.u32 $0x1, s1  }
0x8c: {  	s17 =	sshll.u32 s0, $0xA;
	s2 =	sadd.s32 s3, s2  }
0x8d: {  	s2 =	sadd.s32 s2, s17  }
0x8e: {  	[smem:$0x3FC6] =	sst s2  }
0x8f: {  	_ = 	snop  }
0x90: {  	s2 =	sld [smem:$0x3FD0];
	(tm) =	ssettm $0x1  }
0x91: {  	s18 =	sld [smem:$0x3FFB];
	_ =	sdelay $0x3  }
0x92: {  	_ =	strace s18  }
0x93: {  	s3 =	sld [smem:$0x3FFC];
	_ =	sdelay $0x3  }
0x94: {  	_ =	strace s3  }
0x95: {  	s3 =	sld [smem:$0x3FFD];
	_ =	sdelay $0x3  }
0x96: {  	_ =	strace s3  }
0x97: {  	_ =	strace $0x8FFFFFFF  }
0x98: {  	s19 =	sld [smem:$0x3FDB];
	_ =	sdelay $0x1  }
0x99: {  	s4 =	simm.s32 $_scs_section_size  }
0x9a: {  	s5 =	simm.s32 $_size__tile_overlayer_lowered;
	s6 =	simm.s32 $_tile_overlayer_lowered  }
0x9b: {  	s22 =	simm.s32 $0x1BFF;
	s21 =	sshll.u32 s6, $0x1;
	s3 =	sadd.s32 s4, s19  }
0x9c: {  	s7 =	simm.s32 $0x0;
	s20 =	sshll.u32 s5, $0x1;
	s5 =	sadd.s32 s21, s3  }
0x9d: {  	[timem:s7], [sflag:s22] =	dma.local [hbm:s5], s20  }
0x9e: {  	_ =	swait.ge [sflag:s22], s20  }
0x9f: {  	s4 =	ssub.s32 $0x0, s20;
	[sflag:s22] =	ssyncset.done $0x0  }
0xa0: {  	[sflag:s22] =	ssyncadd.s32 s4;
	_ =	sdelay $0x1  }
0xa1: {  	s23 =	simm.s32 $0x1B8B  }
0xa2: {  	_ =	swait.ge [sflag:s23], $0x1  }
0xa3: {  	[sflag:s23] =	ssyncset.done $0x0  }
0xa4: {  	s25 =	simm.s32 $0x1B8E;
	s24 =	sld [smem:$0x3FFE];
	[sflag:s23] =	ssyncadd.s32 $0xFFFFFFFF  }
0xa5: {  	s26 =	simm.s32 $execute0_lowered;
	[smem:$0x3FD2] =	sst s25  }
0xa6: {  	s5 =	sshll.u32 s26, $0x1;
	_ =	strace $0x80000046;
	[dreg:$0x1] =	wrdreg $0xFFFFFFFF  }
0xa7: {  	s28 =	simm.s32 $_size_execute0_lowered;
	s3 =	sadd.s32 s3, s5;
	[dreg:$0x0] =	wrdreg $0x0  }
0xa8: {  	s5 =	sshll.u32 s28, $0x1;
	[dreg:$0x2] =	wrdreg s3  }
0xa9: {  	[dreg:$0x3] =	wrdreg s5  }
0xaa: {  	[dreg:$0x4] =	wrdreg $0xC0  }
0xab: {  	_ =	task [dreg:s7], $0x5FFFF  }
0xac: {  	[dreg:$0x1] =	wrdreg $0xFFFFFFFF  }
0xad: {  	[dreg:$0x0] =	wrdreg $0x60  }
0xae: {  	[dreg:$0x2] =	wrdreg s24  }
0xaf: {  	[dreg:$0x3] =	wrdreg s2  }
0xb0: {  	[dreg:$0x4] =	wrdreg $0x0  }
0xb1: {  	[dreg:$0x5] =	wrdreg $0x9  }
0xb2: {  	_ =	task.clear_ibuf [dreg:s7], $0x6FFFF;
	_ =	strace $0x90000046  }
0xb3: {  	s29 =	simm.s32 $0x9;
	_ =	strace $0x80000048  }
0xb4: {  	_ =	swait.ge [sflag:s29], $0x1  }
0xb5: {  	[sflag:s29] =	ssyncadd.s32 $0xFFFFFFFF  }
0xb6: {  	_ =	strace $0x90000048  }
0xb7: {  	_ =	sfence  }
0xb8: {  	s30 =	sld [smem:$0x0];
	_ =	sdelay $0x2  }
0xb9: {  	s31 =	sshll.u32 s1, $0xD;
	s1 =	sshrl.u32 s1, $0x2  }
0xba: {  	s3 =	sand.u32 $0x4000, s31;
	s1 =	sadd.s32 s1, s30  }
0xbb: {  	s0 =	sor.u32 s3, s0;
	s1 =	sshll.u32 s1, $0x11  }
0xbc: {  	s0 =	sor.u32 s1, s0  }
0xbd: {  	s0 =	sadd.s32 $0x8F2B, s0  }
0xbe: {  	[sflag:s0] =	ssyncadd.remote.s32 $0x1  }
0xbf: {  	_ =	sfence.sel $0xFFFF  }
0xc0: {  	[dreg:$0x0] =	wrdreg $0xFFFFFFFF;
	(pc) =	sbr.abs _section_cstart, $3  }
0xc1: {  	[dreg:$0x1] =	wrdreg $0xFFFFFFFF  }
0xc2: {  	_ =	task.clear_ibuf [dreg:s7], $0x2FFFF;
	_ =	strace $0x9FFFFFFF  }
0xc3: {  	(tm) =	ssettm $0x7FFFFFFF  }
tec
execute0_lowered:
.L_overlay_start_1:
0x0: {  	(tag) =	ssettag $0x1  }
0x1: {  	s8 =	rddreg [dreg:$0x0]  }
0x2: {  	s1 =	rddreg [dreg:$0x1]  }
0x3: {  	s2 =	rddreg [dreg:$0x2]  }
0x4: {  	s0 =	rddreg [dreg:$0x3];
	s3 =	simm.s32 $0x0  }
0x5: {  	s4 =	srdreg.scid;
	s14 =	simm.s32 $0x80;
	s15 =	simm.s32 $0x400  }
0x6: {  	s16 =	simm.s32 $0x4000;
	s17 =	simm.s32 $0xC000;
	s18 =	simm.s32 $0x14000  }
0x7: {  	s19 =	simm.s32 $0x18000;
	s20 =	simm.s32 $0x0;
	[smem:$0x7FF] =	sst s3  }
0x8: {  	s9 =	sand.u32 $0x1, s4;
	s4 =	stileid.u32;
	s5 =	sadd.s32 $0x110000, s8  }
0x9: {  	_ =	strace $0x80000047;
	s6 =	ssub.s32 $0x2, s9;
	s10 =	sshll.u32 s4, $0xF  }
0xa: {  	s29 =	sshll.u32 s4, $0xC;
	s31 =	sshll.u32 s4, $0x13;
	s7 =	sshrl.u32 s6, $0x1  }
0xb: {  	s13 =	sshll.u32 s9, $0x12;
	s12 =	sor.u32 $0x4000, s10;
	s11 =	ssub.s32 s6, s7  }
0xc: {  	s6 =	sadd.s32 s8, s29;
	s7 =	sadd.s32 s10, s2;
	s30 =	sshrl.u32 s12, $0x3  }
0xd: {  	v0 =	vlaneseq.u32;
	s9 =	sadd.s32 s12, s2;
	s10 =	sor.u32 s13, s31;
	s12 =	simm.s32 $0x8000  }
0xe: {  	v0 =	vmul.u32 $0x4, v0;
	s13 =	simm.s32 $0x1;
	s8 =	sadd.s32 s8, s30;
	s11 =	smax.u32 s11, $0x1  }
.LBB2_1:
0xf: {  	[tilespmem:s12], [sflag:$0x1] =	stream.linear.gather [hbm4b:s6+s3], $0x4000, $0x38;
	[tilespmem:$0x19000] =	vst v63  }
0x10: {  	_ =	swait.ge [sflag:s13], $0x4000  }
0x11: {  	[sflag:s13] =	ssyncset.done $0x0  }
0x12: {  	[sflag:s13] =	ssyncadd.s32 $0xFFFFC000  }
0x13: {  	[spmem:s7] =	stream.linear.scatter [tilespmem:s12], [sflag:$0x1], $0x4000, $0x38;
	[tilespmem:$0x19000] =	vst v63  }
0x14: {  	_ =	swait.ge [sflag:s13], $0x4000  }
0x15: {  	[sflag:s13] =	ssyncset.done $0x0  }
0x16: {  	[sflag:s13] =	ssyncadd.s32 $0xFFFFC000  }
0x17: {  	[tilespmem:s12], [sflag:$0x1] =	stream.linear.gather [hbm4b:s8+s3], $0x4000, $0x38;
	[tilespmem:$0x19000] =	vst v63  }
0x18: {  	_ =	swait.ge [sflag:s13], $0x4000  }
0x19: {  	[sflag:s13] =	ssyncset.done $0x0  }
0x1a: {  	[sflag:s13] =	ssyncadd.s32 $0xFFFFC000  }
0x1b: {  	[spmem:s9] =	stream.linear.scatter [tilespmem:s12], [sflag:$0x1], $0x4000, $0x38;
	[tilespmem:$0x19000] =	vst v63  }
0x1c: {  	_ =	swait.ge [sflag:s13], $0x4000  }
0x1d: {  	[sflag:s13] =	ssyncset.done $0x0  }
0x1e: {  	[sflag:s13] =	ssyncadd.s32 $0xFFFFC000  }
0x1f: {  	s21 =	simm.s32 $0x0;
	[bflag:$0x0] =	sbarrier.arrive $0xFFFF  }
.LBB2_2:
0x20: {  	s22 =	sshll.u32 s21, $0xE  }
0x21: {  	s23 =	sshll.u32 s21, $0x7;
	s22 =	sadd.s32 s10, s22  }
0x22: {  	s23 =	sand.u32 $0x380, s23;
	s24 =	sand.u32 $0x7E0000, s22  }
0x23: {  	s23 =	sor.u32 s23, s24  }
0x24: {  	s29 =	simm.s32 $0x0;
	s23 =	sshrl.u32 s23, $0x3  }
0x25: {  	v1 =	vor.u32 s29, v0;
	s23 =	sadd.s32 s5, s23  }
0x26: {  	[tilespmem:s12], [sflag:$0x1] =	stream.strided.gather [hbm4b:s23+s14], $0x4000, s15, s14, $0x38;
	[tilespmem:$0x19000] =	vst v63  }
0x27: {  	_ =	swait.ge [sflag:s13], $0x4000  }
0x28: {  	[sflag:s13] =	ssyncset.done $0x0  }
0x29: {  	[sflag:s13] =	ssyncadd.s32 $0xFFFFC000  }
0x2a: {  	v1 =	vld.idx.msk [tilespmem:v1+s12+$0x0], $0xffff;
	_ =	sdelay $0x1  }
0x2b: {  	s30 =	simm.s32 $0x1  }
0x2c: {  	v2 =	vor.u32 s30, v0;
	_ =	sdelay $0x1  }
0x2d: {  	s24 =	simm.s32 $0xC020;
	v3 =	vshrl.u32 v1, $0x7;
	v1 =	vshrl.u32 v1, $0xC  }
0x2e: {  	s23 =	simm.s32 $0x10020;
	[tilespmem:s24+$0xFFFFFFE0] =	vst v1;
	v1 =	vand.u32 $0x1F, v3  }
0x2f: {  	[tilespmem:s23+$0xFFFFFFE0] =	vst v1  }
0x30: {  	v1 =	vld.idx.msk [tilespmem:v2+s12+$0x0], $0xffff;
	_ =	sdelay $0x1  }
0x31: {  	s25 =	simm.s32 $0x2  }
0x32: {  	v2 =	vor.u32 s25, v0;
	_ =	sdelay $0x1  }
0x33: {  	v3 =	vshrl.u32 v1, $0x7;
	v1 =	vshrl.u32 v1, $0xC  }
0x34: {  	[tilespmem:s24+$0xFFFFFFF0] =	vst v1;
	v1 =	vand.u32 $0x1F, v3  }
0x35: {  	[tilespmem:s23+$0xFFFFFFF0] =	vst v1  }
0x36: {  	v1 =	vld.idx.msk [tilespmem:v2+s12+$0x0], $0xffff;
	_ =	sdelay $0x1  }
0x37: {  	s31 =	simm.s32 $0x3  }
0x38: {  	v2 =	vor.u32 s31, v0;
	_ =	sdelay $0x1  }
0x39: {  	v3 =	vshrl.u32 v1, $0x7;
	v1 =	vshrl.u32 v1, $0xC  }
0x3a: {  	[tilespmem:s24+$0x0] =	vst v1;
	v1 =	vand.u32 $0x1F, v3  }
0x3b: {  	[tilespmem:s23+$0x0] =	vst v1  }
0x3c: {  	v1 =	vld.idx.msk [tilespmem:v2+s12+$0x0], $0xffff;
	_ =	sdelay $0x3  }
0x3d: {  	s25 =	simm.s32 $0x40  }
0x3e: {  	v2 =	vshrl.u32 v1, $0x7;
	v3 =	vshrl.u32 v1, $0xC;
	v1 =	vor.u32 s25, v0;
	_ =	sdelay $0x1  }
0x3f: {  	s28 =	simm.s32 $0x80;
	[tilespmem:s24+$0x10] =	vst v3;
	v2 =	vand.u32 $0x1F, v2  }
.LBB2_3:
0x40: {  	[tilespmem:s23+$0x10] =	vst v2;
	s23 =	sadd.s32 $0x40, s23  }
0x41: {  	s24 =	sadd.s32 $0x40, s24;
	s29 =	smov.u32 s28;
	s26 =	sadd.s32 $0x40, s28  }
0x42: {  	p0 =	sne.s32 s28, $0x3FC0;
	v1 =	vld.idx.msk [tilespmem:v1+s12+$0x0], $0xffff;
	_ =	sdelay $0x2  }
0x43: {  	s28 =	sadd.s32 $0x1, s25  }
0x44: {  	v2 =	vor.u32 s28, v0;
	_ =	sdelay $0x1  }
0x45: {  	v3 =	vshrl.u32 v1, $0x7;
	v1 =	vshrl.u32 v1, $0xC  }
0x46: {  	[tilespmem:s24+$0xFFFFFFE0] =	vst v1;
	v1 =	vand.u32 $0x1F, v3  }
0x47: {  	[tilespmem:s23+$0xFFFFFFE0] =	vst v1  }
0x48: {  	v1 =	vld.idx.msk [tilespmem:v2+s12+$0x0], $0xffff;
	_ =	sdelay $0x2  }
0x49: {  	s28 =	sadd.s32 $0x2, s25  }
0x4a: {  	v2 =	vor.u32 s28, v0;
	_ =	sdelay $0x1  }
0x4b: {  	v3 =	vshrl.u32 v1, $0x7;
	v1 =	vshrl.u32 v1, $0xC  }
0x4c: {  	[tilespmem:s24+$0xFFFFFFF0] =	vst v1;
	v1 =	vand.u32 $0x1F, v3  }
0x4d: {  	[tilespmem:s23+$0xFFFFFFF0] =	vst v1  }
0x4e: {  	v1 =	vld.idx.msk [tilespmem:v2+s12+$0x0], $0xffff;
	_ =	sdelay $0x2  }
0x4f: {  	s28 =	sadd.s32 $0x3, s25;
	s25 =	smov.u32 s29  }
0x50: {  	v2 =	vor.u32 s28, v0;
	_ =	sdelay $0x1  }
0x51: {  	v3 =	vshrl.u32 v1, $0x7;
	v1 =	vshrl.u32 v1, $0xC  }
0x52: {  	[tilespmem:s24+$0x0] =	vst v1;
	v1 =	vand.u32 $0x1F, v3  }
0x53: {  	[tilespmem:s23+$0x0] =	vst v1  }
0x54: {  	v2 =	vld.idx.msk [tilespmem:v2+s12+$0x0], $0xffff;
	_ =	sdelay $0x2  }
.Ltmp0:
0x55: {  	(pc) =	sbr.rel @p0 .LBB2_3-.Ltmp0, $3  }
0x56: {  	v1 =	vor.u32 s25, v0;
	_ =	sdelay $0x1  }
0x57: {  	v3 =	vshrl.u32 v2, $0x7;
	v2 =	vshrl.u32 v2, $0xC  }
0x58: {  	s28 =	smov.u32 s26;
	[tilespmem:s24+$0x10] =	vst v2;
	v2 =	vand.u32 $0x1F, v3  }
0x59: {  	_ =	sdelay $0x2  }
0x5a: {  	[tilespmem:s23+$0x10] =	vst v2  }
0x5b: {  	v1 =	vld.idx.msk [tilespmem:v1+s12+$0x0], $0xffff;
	_ =	sdelay $0x1  }
0x5c: {  	s26 =	sadd.s32 $0x1, s25  }
0x5d: {  	v2 =	vor.u32 s26, v0;
	_ =	sdelay $0x1  }
0x5e: {  	s24 =	sadd.s32 $0x40, s24;
	v3 =	vshrl.u32 v1, $0x7;
	v1 =	vshrl.u32 v1, $0xC  }
0x5f: {  	s28 =	sadd.s32 $0x40, s23;
	[tilespmem:s24+$0xFFFFFFE0] =	vst v1;
	v1 =	vand.u32 $0x1F, v3  }
0x60: {  	[tilespmem:s28+$0xFFFFFFE0] =	vst v1  }
0x61: {  	v1 =	vld.idx.msk [tilespmem:v2+s12+$0x0], $0xffff;
	_ =	sdelay $0x1  }
0x62: {  	s29 =	sadd.s32 $0x2, s25  }
0x63: {  	v2 =	vor.u32 s29, v0;
	_ =	sdelay $0x1  }
0x64: {  	v3 =	vshrl.u32 v1, $0x7;
	v1 =	vshrl.u32 v1, $0xC  }
0x65: {  	[tilespmem:s24+$0xFFFFFFF0] =	vst v1;
	v1 =	vand.u32 $0x1F, v3  }
0x66: {  	[tilespmem:s28+$0xFFFFFFF0] =	vst v1  }
0x67: {  	v1 =	vld.idx.msk [tilespmem:v2+s12+$0x0], $0xffff;
	_ =	sdelay $0x1  }
0x68: {  	s30 =	sadd.s32 $0x3, s25  }
0x69: {  	v2 =	vor.u32 s30, v0;
	_ =	sdelay $0x1  }
0x6a: {  	v3 =	vshrl.u32 v1, $0x7;
	v1 =	vshrl.u32 v1, $0xC  }
0x6b: {  	[tilespmem:s24+$0x0] =	vst v1;
	v1 =	vand.u32 $0x1F, v3  }
0x6c: {  	[tilespmem:s28+$0x0] =	vst v1  }
0x6d: {  	v1 =	vld.idx.msk [tilespmem:v2+s12+$0x0], $0xffff;
	_ =	sdelay $0x4  }
0x6e: {  	v2 =	vshrl.u32 v1, $0x7;
	v1 =	vshrl.u32 v1, $0xC  }
0x6f: {  	[tilespmem:s24+$0x10] =	vst v1;
	v1 =	vand.u32 $0x1F, v2  }
0x70: {  	[tilespmem:s28+$0x10] =	vst v1  }
0x71: {  	[tilespmem:s18], [sflag:$0x1] =	stream.indirect.gather [spmem:s2], $0x1, s17, s16, $0xb8;
	[tilespmem:$0x19000] =	vst v63  }
0x72: {  	_ =	swait.ge [sflag:s13], $0x4000  }
0x73: {  	[sflag:s13] =	ssyncset.done $0x0  }
0x74: {  	s23 =	simm.s32 $0x10020;
	[sflag:s13] =	ssyncadd.s32 $0xFFFFC000  }
0x75: {  	v1 =	vld [tilespmem:s23+$0xFFFFFFF0]  }
0x76: {  	s24 =	simm.s32 $0x14020;
	v2 =	vld [tilespmem:s23+$0x10]  }
0x77: {  	v3 =	vld [tilespmem:s24+$0xFFFFFFE0]  }
0x78: {  	v4 =	vld [tilespmem:s23+$0x0]  }
0x79: {  	v5 =	vld [tilespmem:s24+$0x0]  }
0x7a: {  	v6 =	vld [tilespmem:s24+$0xFFFFFFF0]  }
0x7b: {  	v7 =	vld [tilespmem:s23+$0xFFFFFFE0]  }
0x7c: {  	v8 =	vld [tilespmem:s24+$0x10];
	_ =	sdelay $0x3  }
0x7d: {  	v4 =	vshrl.u32 v5, v4;
	v1 =	vshrl.u32 v6, v1  }
0x7e: {  	v3 =	vshrl.u32 v3, v7;
	v2 =	vshrl.u32 v8, v2;
	v1 =	vshll.u32 v1, $0x8  }
0x7f: {  	v4 =	vshll.u32 v4, $0x10;
	v3 =	vand.u32 $0x1, v3;
	v1 =	vand.u32 $0x100, v1  }
0x80: {  	v2 =	vshll.u32 v2, $0x18;
	v1 =	vor.u32 v3, v1;
	v3 =	vand.u32 $0x10000, v4  }
0x81: {  	s31 =	simm.s32 $0x0;
	v2 =	vand.u32 $0x1000000, v2;
	v1 =	vor.u32 v3, v1  }
0x82: {  	s25 =	simm.s32 $0x10;
	s26 =	sand.u32 $0xFF0, s31;
	v1 =	vor.u32 v2, v1  }
.LBB2_5:
0x83: {  	p0 =	sne.s32 s25, $0xFF0;
	[tilespmem:s26+$0x18000] =	vst v1;
	s23 =	sadd.s32 $0x40, s23;
	s24 =	sadd.s32 $0x40, s24  }
0x84: {  	s26 =	smov.u32 s25;
	s25 =	sadd.s32 $0x10, s25;
	v1 =	vld [tilespmem:s23+$0xFFFFFFF0]  }
0x85: {  	v2 =	vld [tilespmem:s23+$0x10]  }
0x86: {  	v3 =	vld [tilespmem:s24+$0xFFFFFFE0]  }
0x87: {  	v4 =	vld [tilespmem:s23+$0x0]  }
0x88: {  	v5 =	vld [tilespmem:s24+$0x0]  }
0x89: {  	v6 =	vld [tilespmem:s24+$0xFFFFFFF0]  }
0x8a: {  	v7 =	vld [tilespmem:s23+$0xFFFFFFE0]  }
0x8b: {  	v8 =	vld [tilespmem:s24+$0x10];
	_ =	sdelay $0x1  }
0x8c: {  	v4 =	vshrl.u32 v5, v4  }
0x8d: {  	v1 =	vshrl.u32 v6, v1;
	v4 =	vshll.u32 v4, $0x10  }
.Ltmp1:
0x8e: {  	v3 =	vshrl.u32 v3, v7;
	v1 =	vshll.u32 v1, $0x8;
	(pc) =	sbr.rel @p0 .LBB2_5-.Ltmp1, $4  }
0x8f: {  	v3 =	vand.u32 $0x1, v3;
	v1 =	vand.u32 $0x100, v1;
	v2 =	vshrl.u32 v8, v2  }
0x90: {  	v1 =	vor.u32 v3, v1;
	v3 =	vand.u32 $0x10000, v4;
	v2 =	vshll.u32 v2, $0x18  }
0x91: {  	v1 =	vor.u32 v3, v1;
	v2 =	vand.u32 $0x1000000, v2  }
0x92: {  	s26 =	sand.u32 $0xFF0, s26;
	v1 =	vor.u32 v2, v1  }
0x93: {  	s21 =	sadd.s32 $0x1, s21  }
0x94: {  	s22 =	sshrl.u32 s22, $0x5;
	p0 =	sne.s32 s21, $0x10  }
.Ltmp2:
0x95: {  	[tilespmem:s26+$0x18000] =	vst v1;
	s22 =	sadd.s32 s1, s22;
	(pc) =	sbr.rel @p0 .LBB2_2-.Ltmp2, $4  }
0x96: {  	[hbm4b:s22+s3] =	stream.linear.scatter [tilespmem:s19], [sflag:$0x1], $0x1000, $0x38;
	[tilespmem:$0x19000] =	vst v63  }
0x97: {  	_ =	swait.ge [sflag:s13], $0x1000  }
0x98: {  	[sflag:s13] =	ssyncset.done $0x0  }
0x99: {  	[sflag:s13] =	ssyncadd.s32 $0xFFFFF000  }
0x9a: {  	s20 =	sadd.s32 $0x1, s20  }
0x9b: {  	p0 =	sne.s32 s20, s11  }
.Ltmp3:
0x9c: {  	_ = 	snop;
	(pc) =	sbr.rel @p0 .LBB2_1-.Ltmp3, $1  }
0x9d: {  	_ =	sdelay $0x3  }
0x9e: {  	_ =	sfence.sel $0x180000  }
0x9f: {  	[bflag:$0x0] =	sbarrier.arrive $0xFFFF  }
0xa0: {  	p0 =	sne.s32 s4, $0x0;
	_ =	strace $0x90000047  }
0xa1: {  	s0 =	sadd.s32 @!p0 $0x100000, s0;
	[bflag:$0x2] =	sbarrier.arrive $0xFFFF  }
0xa2: {  	[sflag:s0] =	ssyncadd.tile.s32 @!p0 $0x1;
	_ =	shalt  }
.Lfunc_end2:
_tile_overlayer_lowered:
.L_overlay_start_2:
0xa3: {  	(tag) =	ssettag $0x2  }
0xa4: {  	s0 =	rddreg [dreg:$0x0];
	s2 =	stileid.u32  }
0xa5: {  	s1 =	rddreg [dreg:$0x1];
	p0 =	sne.s32 s2, $0x0  }
0xa6: {  	s3 =	rddreg [dreg:$0x2];
	[bflag:$0x3] =	sbarrier.arrive $0xFFFF;
	s2 =	simm.s32 @!p0 $0x1C01  }
0xa7: {  	[timem:s3], [sflag:s2] =	dma.local @!p0 [hbm:s0], s1  }
0xa8: {  	s0 =	simm.s32 @!p0 $0x1  }
0xa9: {  	_ =	swait.ge @!p0 [sflag:s0], s1  }
0xaa: {  	s1 =	ssub.s32 @!p0 $0x0, s1;
	[sflag:s0] =	ssyncset.done @!p0 $0x0  }
0xab: {  	[sflag:s0] =	ssyncadd.s32 @!p0 s1  }
0xac: {  	[bflag:$0x3] =	sbarrier.arrive $0xFFFF  }
0xad: {  	_ =	shalt  }

</sc_bundles>
